<compile_context>
chip_gen: v7x
topology: tpu7x:2x2x1
jax: 0.10.2.dev20260603
libtpu: 0.0.44.dev20260713+nightly
codegen_flags: <defaults>
</compile_context>

<pallas_src>
import functools

import jax
import jax.numpy as jnp
from jax import lax
from jax.experimental import pallas as pl
from jax.experimental.pallas import tpu as pltpu
from jax.experimental.pallas import tpu_sc as plsc

EMO_CLASS = 1000
EBD_SIZE = 128
BATCH = 16384


@functools.cache
def _make_gather(V, D, B, nchunk=8):
    info = plsc.get_sparse_core_info()
    NC, NS = info.num_cores, info.num_subcores
    NW = NC * NS
    assert B % (8 * NW) == 0
    b_per_w = B // NW
    assert b_per_w % nchunk == 0
    C = b_per_w // nchunk
    mesh = plsc.VectorSubcoreMesh(core_axis_name="c", subcore_axis_name="s")

    @functools.partial(
        pl.kernel,
        mesh=mesh,
        out_type=jax.ShapeDtypeStruct((B, D), jnp.float32),
        scratch_types=[
            pltpu.VMEM((b_per_w,), jnp.int32),
            pltpu.VMEM((nchunk, C, D), jnp.float32),
            pltpu.VMEM_SHARED((V, D), jnp.float32),
        ]
        + [pltpu.SemaphoreType.DMA] * (2 * nchunk + 1),
    )
    def gather_kernel(idx_hbm, table_hbm, out_hbm, idx_v, rows_v, table_s, *sems):
        gsems, ssems, stg = sems[:nchunk], sems[nchunk : 2 * nchunk], sems[-1]
        cid = lax.axis_index("c")
        sid = lax.axis_index("s")
        wid = sid * NC + cid
        base = wid * b_per_w
        @pl.when(sid == 0)
        def _stage():
            pltpu.async_copy(table_hbm, table_s, stg)

        pltpu.sync_copy(idx_hbm.at[pl.ds(base, b_per_w)], idx_v)
        gathers = [
            pltpu.async_copy(table_hbm.at[idx_v.at[pl.ds(0, C)]], rows_v.at[0], gsems[0])
        ]

        @pl.when(sid == 0)
        def _stage_wait():
            pltpu.make_async_copy(table_hbm, table_s, stg).wait()

        plsc.subcore_barrier()
        gathers += [
            pltpu.async_copy(
                table_s.at[idx_v.at[pl.ds(k * C, C)]], rows_v.at[k], gsems[k]
            )
            for k in range(1, nchunk)
        ]
        stores = []
        for k in range(nchunk):
            gathers[k].wait()
            stores.append(
                pltpu.async_copy(
                    rows_v.at[k], out_hbm.at[pl.ds(base + k * C, C)], ssems[k]
                )
            )
        for s in stores:
            s.wait()

    return gather_kernel


def kernel(emo, emo_embedding):
    table = emo_embedding.reshape(EMO_CLASS, EBD_SIZE)
    idx = emo.astype(jnp.int32)
    return _make_gather(EMO_CLASS, EBD_SIZE, BATCH)(idx, table)

# --- scband reference (transcript-rebuilt; emitter-appended) ---
"""Pipeline reference for scband-style-convert-layer-23673859736261 (READ-ONLY COPY).

The authoritative reference and input builder live on the scoring server;
editing this copy changes nothing except your own understanding.
"""

import jax, jax.numpy as jnp
import numpy as np
import math

EMO_CLASS = 1000
EBD_SIZE = 128
BATCH = 16384

def setup_inputs(seed: int = 0) -> dict:
    key = jax.random.key(seed)
    k1, k2 = jax.random.split(key)
    emo = jax.random.randint(k1, (BATCH,), 0, EMO_CLASS, dtype=jnp.int64 if jax.config.jax_enable_x64 else jnp.int32)
    # xavier_normal_ for tensor of shape (1, emo_class, ebd_size):
    # fan_in = size(1) * receptive_field = EMO_CLASS * EBD_SIZE, fan_out = size(0) * receptive_field = 1 * EBD_SIZE
    fan_in = EMO_CLASS * EBD_SIZE
    fan_out = 1 * EBD_SIZE
    std = math.sqrt(2.0 / (fan_in + fan_out))
    emo_embedding = jax.random.normal(k2, (1, EMO_CLASS, EBD_SIZE), dtype=jnp.float32) * std
    return {"emo": emo, "emo_embedding": emo_embedding}

def reference(emo, emo_embedding):
    # Faithful translation of the per-row loop:
    #   out[idx, :] = emo_embedding[0, emo[idx], :]
    # which is exactly a row-gather (embedding lookup) on axis 1 of the table.
    out = jnp.take(emo_embedding[0], emo, axis=0)
    return out

if __name__ == "__main__":
    import jax
    _d = setup_inputs()
    print(jax.jit(kernel)(*tuple(_d.values())))

</pallas_src>

<mosaic_0001>
#map = affine_map<(d0, d1) -> (0)>
#map1 = affine_map<(d0, d1) -> (0, 0)>
module attributes {stable_mosaic.version = 14 : i64} {
  func.func @gather_kernel(%arg0: i32, %arg1: i32, %arg2: memref<16384xi32, #tpu.memory_space<hbm>>, %arg3: memref<1000x128xf32, #tpu.memory_space<hbm>>, %arg4: memref<16384x128xf32, #tpu.memory_space<hbm>>, %arg5: memref<512xi32, #tpu.memory_space<vmem>>, %arg6: memref<8x64x128xf32, #tpu.memory_space<vmem>>, %arg7: memref<1000x128xf32, #tpu.memory_space<vmem_shared>>, %arg8: memref<!tpu.dma_semaphore, #tpu.memory_space<semaphore_mem>>, %arg9: memref<!tpu.dma_semaphore, #tpu.memory_space<semaphore_mem>>, %arg10: memref<!tpu.dma_semaphore, #tpu.memory_space<semaphore_mem>>, %arg11: memref<!tpu.dma_semaphore, #tpu.memory_space<semaphore_mem>>, %arg12: memref<!tpu.dma_semaphore, #tpu.memory_space<semaphore_mem>>, %arg13: memref<!tpu.dma_semaphore, #tpu.memory_space<semaphore_mem>>, %arg14: memref<!tpu.dma_semaphore, #tpu.memory_space<semaphore_mem>>, %arg15: memref<!tpu.dma_semaphore, #tpu.memory_space<semaphore_mem>>, %arg16: memref<!tpu.dma_semaphore, #tpu.memory_space<semaphore_mem>>, %arg17: memref<!tpu.dma_semaphore, #tpu.memory_space<semaphore_mem>>, %arg18: memref<!tpu.dma_semaphore, #tpu.memory_space<semaphore_mem>>, %arg19: memref<!tpu.dma_semaphore, #tpu.memory_space<semaphore_mem>>, %arg20: memref<!tpu.dma_semaphore, #tpu.memory_space<semaphore_mem>>, %arg21: memref<!tpu.dma_semaphore, #tpu.memory_space<semaphore_mem>>, %arg22: memref<!tpu.dma_semaphore, #tpu.memory_space<semaphore_mem>>, %arg23: memref<!tpu.dma_semaphore, #tpu.memory_space<semaphore_mem>>, %arg24: memref<!tpu.dma_semaphore, #tpu.memory_space<semaphore_mem>>) attributes {dimension_semantics = [#tpu.dimension_semantics<core_parallel>, #tpu.dimension_semantics<subcore_parallel>], iteration_bounds = array<i64: 2, 16>, scalar_prefetch = 0 : i64, scratch_operands = 20 : i64, tpu.core_type = #tpu.core_type<sc_vector_subcore>, window_params = [{transform_indices = #map}, {transform_indices = #map1}, {transform_indices = #map1}]} {
    %mul3A = arith.constant 2 : i32
    %mul3A_0 = arith.muli %arg1, %mul3A : i32
    %add3A = arith.addi %mul3A_0, %arg0 : i32
    %mul3A_1 = arith.constant 512 : i32
    %mul3A_2 = arith.muli %add3A, %mul3A_1 : i32
    %eq3A = arith.constant 0 : i32
    %eq3A_3 = arith.cmpi eq, %arg1, %eq3A : i32
    %convert_element_type3A = arith.extui %eq3A_3 : i1 to i32
    %cond3A = arith.constant 0 : i32
    %cond3A_4 = arith.cmpi ne, %convert_element_type3A, %cond3A : i32
    scf.if %cond3A_4 {
      tpu.enqueue_dma source(%arg3 : memref<1000x128xf32, #tpu.memory_space<hbm>>) target(%arg7 : memref<1000x128xf32, #tpu.memory_space<vmem_shared>>) target_semaphore(%arg24 : memref<!tpu.dma_semaphore, #tpu.memory_space<semaphore_mem>>)
    } else {
    }
    "tpu.region"() ({
      %run_scoped3A = tpu.sem_alloc : memref<!tpu.dma_semaphore, #tpu.memory_space<semaphore_mem>>
      %dma_start3A_392 = tpu.memref_slice %arg2[%mul3A_2] : memref<16384xi32, #tpu.memory_space<hbm>> -> memref<512xi32, #tpu.memory_space<hbm>>
      %dma_start3A_393 = tpu.memref_slice %arg2[%mul3A_2] : memref<16384xi32, #tpu.memory_space<hbm>> -> memref<512xi32, #tpu.memory_space<hbm>>
      tpu.enqueue_dma source(%dma_start3A_393 : memref<512xi32, #tpu.memory_space<hbm>>) target(%arg5 : memref<512xi32, #tpu.memory_space<vmem>>) target_semaphore(%run_scoped3A : memref<!tpu.dma_semaphore, #tpu.memory_space<semaphore_mem>>)
      %dma_wait3A_394 = tpu.memref_slice %arg2[%mul3A_2] : memref<16384xi32, #tpu.memory_space<hbm>> -> memref<512xi32, #tpu.memory_space<hbm>>
      %dma_wait3A_395 = tpu.memref_slice %arg2[%mul3A_2] : memref<16384xi32, #tpu.memory_space<hbm>> -> memref<512xi32, #tpu.memory_space<hbm>>
      tpu.wait_dma2 semaphore(%run_scoped3A : memref<!tpu.dma_semaphore, #tpu.memory_space<semaphore_mem>>) src(%dma_wait3A_395 : memref<512xi32, #tpu.memory_space<hbm>>) dst(%arg5 : memref<512xi32, #tpu.memory_space<vmem>>)
      tpu.yield
    }) : () -> ()
    %dma_start3A = arith.constant 0 : i32
    %dma_start3A_5 = arith.constant 0 : i32
    %dma_start3A_6 = arith.constant 0 : i32
    %dma_start3A_7 = tpu.memref_slice %arg6[%dma_start3A, %dma_start3A_5, %dma_start3A_6] : memref<8x64x128xf32, #tpu.memory_space<vmem>> -> memref<1x64x128xf32, #tpu.memory_space<vmem>>
    %dma_start3A_8 = tpu.memref_squeeze %dma_start3A_7 : memref<1x64x128xf32, #tpu.memory_space<vmem>> -> memref<64x128xf32, #tpu.memory_space<vmem>>
    %dma_start3A_9 = arith.constant 0 : i32
    %dma_start3A_10 = tpu.memref_slice %arg5[%dma_start3A_9] : memref<512xi32, #tpu.memory_space<vmem>> -> memref<64xi32, #tpu.memory_space<vmem>>
    %dma_start3A_11 = arith.constant 0 : i32
    %dma_start3A_12 = arith.constant 0 : i32
    %dma_start3A_13 = tpu.memref_slice %arg3[%dma_start3A_11, %dma_start3A_12] : memref<1000x128xf32, #tpu.memory_space<hbm>> -> memref<1000x128xf32, #tpu.memory_space<hbm>>
    tpu.enqueue_indirect_dma source(%dma_start3A_13 : memref<1000x128xf32, #tpu.memory_space<hbm>>) target(%dma_start3A_8 : memref<64x128xf32, #tpu.memory_space<vmem>>) offsets(%dma_start3A_10 : memref<64xi32, #tpu.memory_space<vmem>>) semaphore(%arg8 : memref<!tpu.dma_semaphore, #tpu.memory_space<semaphore_mem>>)
    %eq3A_14 = arith.constant 0 : i32
    %eq3A_15 = arith.cmpi eq, %arg1, %eq3A_14 : i32
    %convert_element_type3A_16 = arith.extui %eq3A_15 : i1 to i32
    %cond3A_17 = arith.constant 0 : i32
    %cond3A_18 = arith.cmpi ne, %convert_element_type3A_16, %cond3A_17 : i32
    scf.if %cond3A_18 {
      tpu.wait_dma2 semaphore(%arg24 : memref<!tpu.dma_semaphore, #tpu.memory_space<semaphore_mem>>) src(%arg3 : memref<1000x128xf32, #tpu.memory_space<hbm>>) dst(%arg7 : memref<1000x128xf32, #tpu.memory_space<vmem_shared>>)
    } else {
    }
    %barrier3A = arith.constant 0 : index
    tpu.barrier barrier_id(%barrier3A)
    %dma_start3A_19 = arith.constant 1 : i32
    %dma_start3A_20 = arith.constant 0 : i32
    %dma_start3A_21 = arith.constant 0 : i32
    %dma_start3A_22 = tpu.memref_slice %arg6[%dma_start3A_19, %dma_start3A_20, %dma_start3A_21] : memref<8x64x128xf32, #tpu.memory_space<vmem>> -> memref<1x64x128xf32, #tpu.memory_space<vmem>>
    %dma_start3A_23 = tpu.memref_squeeze %dma_start3A_22 : memref<1x64x128xf32, #tpu.memory_space<vmem>> -> memref<64x128xf32, #tpu.memory_space<vmem>>
    %dma_start3A_24 = arith.constant 64 : i32
    %dma_start3A_25 = tpu.memref_slice %arg5[%dma_start3A_24] : memref<512xi32, #tpu.memory_space<vmem>> -> memref<64xi32, #tpu.memory_space<vmem>>
    %dma_start3A_26 = arith.constant 0 : i32
    %dma_start3A_27 = arith.constant 0 : i32
    %dma_start3A_28 = tpu.memref_slice %arg7[%dma_start3A_26, %dma_start3A_27] : memref<1000x128xf32, #tpu.memory_space<vmem_shared>> -> memref<1000x128xf32, #tpu.memory_space<vmem_shared>>
    tpu.enqueue_indirect_dma source(%dma_start3A_28 : memref<1000x128xf32, #tpu.memory_space<vmem_shared>>) target(%dma_start3A_23 : memref<64x128xf32, #tpu.memory_space<vmem>>) offsets(%dma_start3A_25 : memref<64xi32, #tpu.memory_space<vmem>>) semaphore(%arg9 : memref<!tpu.dma_semaphore, #tpu.memory_space<semaphore_mem>>)
    %dma_start3A_29 = arith.constant 2 : i32
    %dma_start3A_30 = arith.constant 0 : i32
    %dma_start3A_31 = arith.constant 0 : i32
    %dma_start3A_32 = tpu.memref_slice %arg6[%dma_start3A_29, %dma_start3A_30, %dma_start3A_31] : memref<8x64x128xf32, #tpu.memory_space<vmem>> -> memref<1x64x128xf32, #tpu.memory_space<vmem>>
    %dma_start3A_33 = tpu.memref_squeeze %dma_start3A_32 : memref<1x64x128xf32, #tpu.memory_space<vmem>> -> memref<64x128xf32, #tpu.memory_space<vmem>>
    %dma_start3A_34 = arith.constant 128 : i32
    %dma_start3A_35 = tpu.memref_slice %arg5[%dma_start3A_34] : memref<512xi32, #tpu.memory_space<vmem>> -> memref<64xi32, #tpu.memory_space<vmem>>
    %dma_start3A_36 = arith.constant 0 : i32
    %dma_start3A_37 = arith.constant 0 : i32
    %dma_start3A_38 = tpu.memref_slice %arg7[%dma_start3A_36, %dma_start3A_37] : memref<1000x128xf32, #tpu.memory_space<vmem_shared>> -> memref<1000x128xf32, #tpu.memory_space<vmem_shared>>
    tpu.enqueue_indirect_dma source(%dma_start3A_38 : memref<1000x128xf32, #tpu.memory_space<vmem_shared>>) target(%dma_start3A_33 : memref<64x128xf32, #tpu.memory_space<vmem>>) offsets(%dma_start3A_35 : memref<64xi32, #tpu.memory_space<vmem>>) semaphore(%arg10 : memref<!tpu.dma_semaphore, #tpu.memory_space<semaphore_mem>>)
    %dma_start3A_39 = arith.constant 3 : i32
    %dma_start3A_40 = arith.constant 0 : i32
    %dma_start3A_41 = arith.constant 0 : i32
    %dma_start3A_42 = tpu.memref_slice %arg6[%dma_start3A_39, %dma_start3A_40, %dma_start3A_41] : memref<8x64x128xf32, #tpu.memory_space<vmem>> -> memref<1x64x128xf32, #tpu.memory_space<vmem>>
    %dma_start3A_43 = tpu.memref_squeeze %dma_start3A_42 : memref<1x64x128xf32, #tpu.memory_space<vmem>> -> memref<64x128xf32, #tpu.memory_space<vmem>>
    %dma_start3A_44 = arith.constant 192 : i32
    %dma_start3A_45 = tpu.memref_slice %arg5[%dma_start3A_44] : memref<512xi32, #tpu.memory_space<vmem>> -> memref<64xi32, #tpu.memory_space<vmem>>
    %dma_start3A_46 = arith.constant 0 : i32
    %dma_start3A_47 = arith.constant 0 : i32
    %dma_start3A_48 = tpu.memref_slice %arg7[%dma_start3A_46, %dma_start3A_47] : memref<1000x128xf32, #tpu.memory_space<vmem_shared>> -> memref<1000x128xf32, #tpu.memory_space<vmem_shared>>
    tpu.enqueue_indirect_dma source(%dma_start3A_48 : memref<1000x128xf32, #tpu.memory_space<vmem_shared>>) target(%dma_start3A_43 : memref<64x128xf32, #tpu.memory_space<vmem>>) offsets(%dma_start3A_45 : memref<64xi32, #tpu.memory_space<vmem>>) semaphore(%arg11 : memref<!tpu.dma_semaphore, #tpu.memory_space<semaphore_mem>>)
    %dma_start3A_49 = arith.constant 4 : i32
    %dma_start3A_50 = arith.constant 0 : i32
    %dma_start3A_51 = arith.constant 0 : i32
    %dma_start3A_52 = tpu.memref_slice %arg6[%dma_start3A_49, %dma_start3A_50, %dma_start3A_51] : memref<8x64x128xf32, #tpu.memory_space<vmem>> -> memref<1x64x128xf32, #tpu.memory_space<vmem>>
    %dma_start3A_53 = tpu.memref_squeeze %dma_start3A_52 : memref<1x64x128xf32, #tpu.memory_space<vmem>> -> memref<64x128xf32, #tpu.memory_space<vmem>>
    %dma_start3A_54 = arith.constant 256 : i32
    %dma_start3A_55 = tpu.memref_slice %arg5[%dma_start3A_54] : memref<512xi32, #tpu.memory_space<vmem>> -> memref<64xi32, #tpu.memory_space<vmem>>
    %dma_start3A_56 = arith.constant 0 : i32
    %dma_start3A_57 = arith.constant 0 : i32
    %dma_start3A_58 = tpu.memref_slice %arg7[%dma_start3A_56, %dma_start3A_57] : memref<1000x128xf32, #tpu.memory_space<vmem_shared>> -> memref<1000x128xf32, #tpu.memory_space<vmem_shared>>
    tpu.enqueue_indirect_dma source(%dma_start3A_58 : memref<1000x128xf32, #tpu.memory_space<vmem_shared>>) target(%dma_start3A_53 : memref<64x128xf32, #tpu.memory_space<vmem>>) offsets(%dma_start3A_55 : memref<64xi32, #tpu.memory_space<vmem>>) semaphore(%arg12 : memref<!tpu.dma_semaphore, #tpu.memory_space<semaphore_mem>>)
    %dma_start3A_59 = arith.constant 5 : i32
    %dma_start3A_60 = arith.constant 0 : i32
    %dma_start3A_61 = arith.constant 0 : i32
    %dma_start3A_62 = tpu.memref_slice %arg6[%dma_start3A_59, %dma_start3A_60, %dma_start3A_61] : memref<8x64x128xf32, #tpu.memory_space<vmem>> -> memref<1x64x128xf32, #tpu.memory_space<vmem>>
    %dma_start3A_63 = tpu.memref_squeeze %dma_start3A_62 : memref<1x64x128xf32, #tpu.memory_space<vmem>> -> memref<64x128xf32, #tpu.memory_space<vmem>>
    %dma_start3A_64 = arith.constant 320 : i32
    %dma_start3A_65 = tpu.memref_slice %arg5[%dma_start3A_64] : memref<512xi32, #tpu.memory_space<vmem>> -> memref<64xi32, #tpu.memory_space<vmem>>
    %dma_start3A_66 = arith.constant 0 : i32
    %dma_start3A_67 = arith.constant 0 : i32
    %dma_start3A_68 = tpu.memref_slice %arg7[%dma_start3A_66, %dma_start3A_67] : memref<1000x128xf32, #tpu.memory_space<vmem_shared>> -> memref<1000x128xf32, #tpu.memory_space<vmem_shared>>
    tpu.enqueue_indirect_dma source(%dma_start3A_68 : memref<1000x128xf32, #tpu.memory_space<vmem_shared>>) target(%dma_start3A_63 : memref<64x128xf32, #tpu.memory_space<vmem>>) offsets(%dma_start3A_65 : memref<64xi32, #tpu.memory_space<vmem>>) semaphore(%arg13 : memref<!tpu.dma_semaphore, #tpu.memory_space<semaphore_mem>>)
    %dma_start3A_69 = arith.constant 6 : i32
    %dma_start3A_70 = arith.constant 0 : i32
    %dma_start3A_71 = arith.constant 0 : i32
    %dma_start3A_72 = tpu.memref_slice %arg6[%dma_start3A_69, %dma_start3A_70, %dma_start3A_71] : memref<8x64x128xf32, #tpu.memory_space<vmem>> -> memref<1x64x128xf32, #tpu.memory_space<vmem>>
    %dma_start3A_73 = tpu.memref_squeeze %dma_start3A_72 : memref<1x64x128xf32, #tpu.memory_space<vmem>> -> memref<64x128xf32, #tpu.memory_space<vmem>>
    %dma_start3A_74 = arith.constant 384 : i32
    %dma_start3A_75 = tpu.memref_slice %arg5[%dma_start3A_74] : memref<512xi32, #tpu.memory_space<vmem>> -> memref<64xi32, #tpu.memory_space<vmem>>
    %dma_start3A_76 = arith.constant 0 : i32
    %dma_start3A_77 = arith.constant 0 : i32
    %dma_start3A_78 = tpu.memref_slice %arg7[%dma_start3A_76, %dma_start3A_77] : memref<1000x128xf32, #tpu.memory_space<vmem_shared>> -> memref<1000x128xf32, #tpu.memory_space<vmem_shared>>
    tpu.enqueue_indirect_dma source(%dma_start3A_78 : memref<1000x128xf32, #tpu.memory_space<vmem_shared>>) target(%dma_start3A_73 : memref<64x128xf32, #tpu.memory_space<vmem>>) offsets(%dma_start3A_75 : memref<64xi32, #tpu.memory_space<vmem>>) semaphore(%arg14 : memref<!tpu.dma_semaphore, #tpu.memory_space<semaphore_mem>>)
    %dma_start3A_79 = arith.constant 7 : i32
    %dma_start3A_80 = arith.constant 0 : i32
    %dma_start3A_81 = arith.constant 0 : i32
    %dma_start3A_82 = tpu.memref_slice %arg6[%dma_start3A_79, %dma_start3A_80, %dma_start3A_81] : memref<8x64x128xf32, #tpu.memory_space<vmem>> -> memref<1x64x128xf32, #tpu.memory_space<vmem>>
    %dma_start3A_83 = tpu.memref_squeeze %dma_start3A_82 : memref<1x64x128xf32, #tpu.memory_space<vmem>> -> memref<64x128xf32, #tpu.memory_space<vmem>>
    %dma_start3A_84 = arith.constant 448 : i32
    %dma_start3A_85 = tpu.memref_slice %arg5[%dma_start3A_84] : memref<512xi32, #tpu.memory_space<vmem>> -> memref<64xi32, #tpu.memory_space<vmem>>
    %dma_start3A_86 = arith.constant 0 : i32
    %dma_start3A_87 = arith.constant 0 : i32
    %dma_start3A_88 = tpu.memref_slice %arg7[%dma_start3A_86, %dma_start3A_87] : memref<1000x128xf32, #tpu.memory_space<vmem_shared>> -> memref<1000x128xf32, #tpu.memory_space<vmem_shared>>
    tpu.enqueue_indirect_dma source(%dma_start3A_88 : memref<1000x128xf32, #tpu.memory_space<vmem_shared>>) target(%dma_start3A_83 : memref<64x128xf32, #tpu.memory_space<vmem>>) offsets(%dma_start3A_85 : memref<64xi32, #tpu.memory_space<vmem>>) semaphore(%arg15 : memref<!tpu.dma_semaphore, #tpu.memory_space<semaphore_mem>>)
    %dma_wait3A = arith.constant 0 : i32
    %dma_wait3A_89 = arith.constant 0 : i32
    %dma_wait3A_90 = arith.constant 0 : i32
    %dma_wait3A_91 = tpu.memref_slice %arg6[%dma_wait3A, %dma_wait3A_89, %dma_wait3A_90] : memref<8x64x128xf32, #tpu.memory_space<vmem>> -> memref<1x64x128xf32, #tpu.memory_space<vmem>>
    %dma_wait3A_92 = tpu.memref_squeeze %dma_wait3A_91 : memref<1x64x128xf32, #tpu.memory_space<vmem>> -> memref<64x128xf32, #tpu.memory_space<vmem>>
    %dma_wait3A_93 = arith.constant 0 : i32
    %dma_wait3A_94 = tpu.memref_slice %arg5[%dma_wait3A_93] : memref<512xi32, #tpu.memory_space<vmem>> -> memref<64xi32, #tpu.memory_space<vmem>>
    %dma_wait3A_95 = arith.constant 0 : i32
    %dma_wait3A_96 = arith.constant 0 : i32
    %dma_wait3A_97 = tpu.memref_slice %arg3[%dma_wait3A_95, %dma_wait3A_96] : memref<1000x128xf32, #tpu.memory_space<hbm>> -> memref<1000x128xf32, #tpu.memory_space<hbm>>
    tpu.wait_indirect_dma semaphore(%arg8 : memref<!tpu.dma_semaphore, #tpu.memory_space<semaphore_mem>>) src(%dma_wait3A_97 : memref<1000x128xf32, #tpu.memory_space<hbm>>) dst(%dma_wait3A_92 : memref<64x128xf32, #tpu.memory_space<vmem>>)
    %add3A_98 = arith.constant 0 : i32
    %add3A_99 = arith.addi %mul3A_2, %add3A_98 : i32
    %dma_start3A_100 = arith.constant 0 : i32
    %dma_start3A_101 = arith.constant 0 : i32
    %dma_start3A_102 = arith.constant 0 : i32
    %dma_start3A_103 = tpu.memref_slice %arg6[%dma_start3A_100, %dma_start3A_101, %dma_start3A_102] : memref<8x64x128xf32, #tpu.memory_space<vmem>> -> memref<1x64x128xf32, #tpu.memory_space<vmem>>
    %dma_start3A_104 = tpu.memref_squeeze %dma_start3A_103 : memref<1x64x128xf32, #tpu.memory_space<vmem>> -> memref<64x128xf32, #tpu.memory_space<vmem>>
    %dma_start3A_105 = arith.constant 0 : i32
    %dma_start3A_106 = tpu.memref_slice %arg4[%add3A_99, %dma_start3A_105] : memref<16384x128xf32, #tpu.memory_space<hbm>> -> memref<64x128xf32, #tpu.memory_space<hbm>>
    %dma_start3A_107 = arith.constant 0 : i32
    %dma_start3A_108 = tpu.memref_slice %arg4[%add3A_99, %dma_start3A_107] : memref<16384x128xf32, #tpu.memory_space<hbm>> -> memref<64x128xf32, #tpu.memory_space<hbm>>
    %dma_start3A_109 = arith.constant 0 : i32
    %dma_start3A_110 = arith.constant 0 : i32
    %dma_start3A_111 = tpu.memref_slice %arg6[%dma_start3A_100, %dma_start3A_109, %dma_start3A_110] : memref<8x64x128xf32, #tpu.memory_space<vmem>> -> memref<1x64x128xf32, #tpu.memory_space<vmem>>
    %dma_start3A_112 = tpu.memref_squeeze %dma_start3A_111 : memref<1x64x128xf32, #tpu.memory_space<vmem>> -> memref<64x128xf32, #tpu.memory_space<vmem>>
    tpu.enqueue_dma source(%dma_start3A_112 : memref<64x128xf32, #tpu.memory_space<vmem>>) target(%dma_start3A_108 : memref<64x128xf32, #tpu.memory_space<hbm>>) target_semaphore(%arg16 : memref<!tpu.dma_semaphore, #tpu.memory_space<semaphore_mem>>)
    %dma_wait3A_113 = arith.constant 1 : i32
    %dma_wait3A_114 = arith.constant 0 : i32
    %dma_wait3A_115 = arith.constant 0 : i32
    %dma_wait3A_116 = tpu.memref_slice %arg6[%dma_wait3A_113, %dma_wait3A_114, %dma_wait3A_115] : memref<8x64x128xf32, #tpu.memory_space<vmem>> -> memref<1x64x128xf32, #tpu.memory_space<vmem>>
    %dma_wait3A_117 = tpu.memref_squeeze %dma_wait3A_116 : memref<1x64x128xf32, #tpu.memory_space<vmem>> -> memref<64x128xf32, #tpu.memory_space<vmem>>
    %dma_wait3A_118 = arith.constant 64 : i32
    %dma_wait3A_119 = tpu.memref_slice %arg5[%dma_wait3A_118] : memref<512xi32, #tpu.memory_space<vmem>> -> memref<64xi32, #tpu.memory_space<vmem>>
    %dma_wait3A_120 = arith.constant 0 : i32
    %dma_wait3A_121 = arith.constant 0 : i32
    %dma_wait3A_122 = tpu.memref_slice %arg7[%dma_wait3A_120, %dma_wait3A_121] : memref<1000x128xf32, #tpu.memory_space<vmem_shared>> -> memref<1000x128xf32, #tpu.memory_space<vmem_shared>>
    tpu.wait_indirect_dma semaphore(%arg9 : memref<!tpu.dma_semaphore, #tpu.memory_space<semaphore_mem>>) src(%dma_wait3A_122 : memref<1000x128xf32, #tpu.memory_space<vmem_shared>>) dst(%dma_wait3A_117 : memref<64x128xf32, #tpu.memory_space<vmem>>)
    %add3A_123 = arith.constant 64 : i32
    %add3A_124 = arith.addi %mul3A_2, %add3A_123 : i32
    %dma_start3A_125 = arith.constant 1 : i32
    %dma_start3A_126 = arith.constant 0 : i32
    %dma_start3A_127 = arith.constant 0 : i32
    %dma_start3A_128 = tpu.memref_slice %arg6[%dma_start3A_125, %dma_start3A_126, %dma_start3A_127] : memref<8x64x128xf32, #tpu.memory_space<vmem>> -> memref<1x64x128xf32, #tpu.memory_space<vmem>>
    %dma_start3A_129 = tpu.memref_squeeze %dma_start3A_128 : memref<1x64x128xf32, #tpu.memory_space<vmem>> -> memref<64x128xf32, #tpu.memory_space<vmem>>
    %dma_start3A_130 = arith.constant 0 : i32
    %dma_start3A_131 = tpu.memref_slice %arg4[%add3A_124, %dma_start3A_130] : memref<16384x128xf32, #tpu.memory_space<hbm>> -> memref<64x128xf32, #tpu.memory_space<hbm>>
    %dma_start3A_132 = arith.constant 0 : i32
    %dma_start3A_133 = tpu.memref_slice %arg4[%add3A_124, %dma_start3A_132] : memref<16384x128xf32, #tpu.memory_space<hbm>> -> memref<64x128xf32, #tpu.memory_space<hbm>>
    %dma_start3A_134 = arith.constant 0 : i32
    %dma_start3A_135 = arith.constant 0 : i32
    %dma_start3A_136 = tpu.memref_slice %arg6[%dma_start3A_125, %dma_start3A_134, %dma_start3A_135] : memref<8x64x128xf32, #tpu.memory_space<vmem>> -> memref<1x64x128xf32, #tpu.memory_space<vmem>>
    %dma_start3A_137 = tpu.memref_squeeze %dma_start3A_136 : memref<1x64x128xf32, #tpu.memory_space<vmem>> -> memref<64x128xf32, #tpu.memory_space<vmem>>
    tpu.enqueue_dma source(%dma_start3A_137 : memref<64x128xf32, #tpu.memory_space<vmem>>) target(%dma_start3A_133 : memref<64x128xf32, #tpu.memory_space<hbm>>) target_semaphore(%arg17 : memref<!tpu.dma_semaphore, #tpu.memory_space<semaphore_mem>>)
    %dma_wait3A_138 = arith.constant 2 : i32
    %dma_wait3A_139 = arith.constant 0 : i32
    %dma_wait3A_140 = arith.constant 0 : i32
    %dma_wait3A_141 = tpu.memref_slice %arg6[%dma_wait3A_138, %dma_wait3A_139, %dma_wait3A_140] : memref<8x64x128xf32, #tpu.memory_space<vmem>> -> memref<1x64x128xf32, #tpu.memory_space<vmem>>
    %dma_wait3A_142 = tpu.memref_squeeze %dma_wait3A_141 : memref<1x64x128xf32, #tpu.memory_space<vmem>> -> memref<64x128xf32, #tpu.memory_space<vmem>>
    %dma_wait3A_143 = arith.constant 128 : i32
    %dma_wait3A_144 = tpu.memref_slice %arg5[%dma_wait3A_143] : memref<512xi32, #tpu.memory_space<vmem>> -> memref<64xi32, #tpu.memory_space<vmem>>
    %dma_wait3A_145 = arith.constant 0 : i32
    %dma_wait3A_146 = arith.constant 0 : i32
    %dma_wait3A_147 = tpu.memref_slice %arg7[%dma_wait3A_145, %dma_wait3A_146] : memref<1000x128xf32, #tpu.memory_space<vmem_shared>> -> memref<1000x128xf32, #tpu.memory_space<vmem_shared>>
    tpu.wait_indirect_dma semaphore(%arg10 : memref<!tpu.dma_semaphore, #tpu.memory_space<semaphore_mem>>) src(%dma_wait3A_147 : memref<1000x128xf32, #tpu.memory_space<vmem_shared>>) dst(%dma_wait3A_142 : memref<64x128xf32, #tpu.memory_space<vmem>>)
    %add3A_148 = arith.constant 128 : i32
    %add3A_149 = arith.addi %mul3A_2, %add3A_148 : i32
    %dma_start3A_150 = arith.constant 2 : i32
    %dma_start3A_151 = arith.constant 0 : i32
    %dma_start3A_152 = arith.constant 0 : i32
    %dma_start3A_153 = tpu.memref_slice %arg6[%dma_start3A_150, %dma_start3A_151, %dma_start3A_152] : memref<8x64x128xf32, #tpu.memory_space<vmem>> -> memref<1x64x128xf32, #tpu.memory_space<vmem>>
    %dma_start3A_154 = tpu.memref_squeeze %dma_start3A_153 : memref<1x64x128xf32, #tpu.memory_space<vmem>> -> memref<64x128xf32, #tpu.memory_space<vmem>>
    %dma_start3A_155 = arith.constant 0 : i32
    %dma_start3A_156 = tpu.memref_slice %arg4[%add3A_149, %dma_start3A_155] : memref<16384x128xf32, #tpu.memory_space<hbm>> -> memref<64x128xf32, #tpu.memory_space<hbm>>
    %dma_start3A_157 = arith.constant 0 : i32
    %dma_start3A_158 = tpu.memref_slice %arg4[%add3A_149, %dma_start3A_157] : memref<16384x128xf32, #tpu.memory_space<hbm>> -> memref<64x128xf32, #tpu.memory_space<hbm>>
    %dma_start3A_159 = arith.constant 0 : i32
    %dma_start3A_160 = arith.constant 0 : i32
    %dma_start3A_161 = tpu.memref_slice %arg6[%dma_start3A_150, %dma_start3A_159, %dma_start3A_160] : memref<8x64x128xf32, #tpu.memory_space<vmem>> -> memref<1x64x128xf32, #tpu.memory_space<vmem>>
    %dma_start3A_162 = tpu.memref_squeeze %dma_start3A_161 : memref<1x64x128xf32, #tpu.memory_space<vmem>> -> memref<64x128xf32, #tpu.memory_space<vmem>>
    tpu.enqueue_dma source(%dma_start3A_162 : memref<64x128xf32, #tpu.memory_space<vmem>>) target(%dma_start3A_158 : memref<64x128xf32, #tpu.memory_space<hbm>>) target_semaphore(%arg18 : memref<!tpu.dma_semaphore, #tpu.memory_space<semaphore_mem>>)
    %dma_wait3A_163 = arith.constant 3 : i32
    %dma_wait3A_164 = arith.constant 0 : i32
    %dma_wait3A_165 = arith.constant 0 : i32
    %dma_wait3A_166 = tpu.memref_slice %arg6[%dma_wait3A_163, %dma_wait3A_164, %dma_wait3A_165] : memref<8x64x128xf32, #tpu.memory_space<vmem>> -> memref<1x64x128xf32, #tpu.memory_space<vmem>>
    %dma_wait3A_167 = tpu.memref_squeeze %dma_wait3A_166 : memref<1x64x128xf32, #tpu.memory_space<vmem>> -> memref<64x128xf32, #tpu.memory_space<vmem>>
    %dma_wait3A_168 = arith.constant 192 : i32
    %dma_wait3A_169 = tpu.memref_slice %arg5[%dma_wait3A_168] : memref<512xi32, #tpu.memory_space<vmem>> -> memref<64xi32, #tpu.memory_space<vmem>>
    %dma_wait3A_170 = arith.constant 0 : i32
    %dma_wait3A_171 = arith.constant 0 : i32
    %dma_wait3A_172 = tpu.memref_slice %arg7[%dma_wait3A_170, %dma_wait3A_171] : memref<1000x128xf32, #tpu.memory_space<vmem_shared>> -> memref<1000x128xf32, #tpu.memory_space<vmem_shared>>
    tpu.wait_indirect_dma semaphore(%arg11 : memref<!tpu.dma_semaphore, #tpu.memory_space<semaphore_mem>>) src(%dma_wait3A_172 : memref<1000x128xf32, #tpu.memory_space<vmem_shared>>) dst(%dma_wait3A_167 : memref<64x128xf32, #tpu.memory_space<vmem>>)
    %add3A_173 = arith.constant 192 : i32
    %add3A_174 = arith.addi %mul3A_2, %add3A_173 : i32
    %dma_start3A_175 = arith.constant 3 : i32
    %dma_start3A_176 = arith.constant 0 : i32
    %dma_start3A_177 = arith.constant 0 : i32
    %dma_start3A_178 = tpu.memref_slice %arg6[%dma_start3A_175, %dma_start3A_176, %dma_start3A_177] : memref<8x64x128xf32, #tpu.memory_space<vmem>> -> memref<1x64x128xf32, #tpu.memory_space<vmem>>
    %dma_start3A_179 = tpu.memref_squeeze %dma_start3A_178 : memref<1x64x128xf32, #tpu.memory_space<vmem>> -> memref<64x128xf32, #tpu.memory_space<vmem>>
    %dma_start3A_180 = arith.constant 0 : i32
    %dma_start3A_181 = tpu.memref_slice %arg4[%add3A_174, %dma_start3A_180] : memref<16384x128xf32, #tpu.memory_space<hbm>> -> memref<64x128xf32, #tpu.memory_space<hbm>>
    %dma_start3A_182 = arith.constant 0 : i32
    %dma_start3A_183 = tpu.memref_slice %arg4[%add3A_174, %dma_start3A_182] : memref<16384x128xf32, #tpu.memory_space<hbm>> -> memref<64x128xf32, #tpu.memory_space<hbm>>
    %dma_start3A_184 = arith.constant 0 : i32
    %dma_start3A_185 = arith.constant 0 : i32
    %dma_start3A_186 = tpu.memref_slice %arg6[%dma_start3A_175, %dma_start3A_184, %dma_start3A_185] : memref<8x64x128xf32, #tpu.memory_space<vmem>> -> memref<1x64x128xf32, #tpu.memory_space<vmem>>
    %dma_start3A_187 = tpu.memref_squeeze %dma_start3A_186 : memref<1x64x128xf32, #tpu.memory_space<vmem>> -> memref<64x128xf32, #tpu.memory_space<vmem>>
    tpu.enqueue_dma source(%dma_start3A_187 : memref<64x128xf32, #tpu.memory_space<vmem>>) target(%dma_start3A_183 : memref<64x128xf32, #tpu.memory_space<hbm>>) target_semaphore(%arg19 : memref<!tpu.dma_semaphore, #tpu.memory_space<semaphore_mem>>)
    %dma_wait3A_188 = arith.constant 4 : i32
    %dma_wait3A_189 = arith.constant 0 : i32
    %dma_wait3A_190 = arith.constant 0 : i32
    %dma_wait3A_191 = tpu.memref_slice %arg6[%dma_wait3A_188, %dma_wait3A_189, %dma_wait3A_190] : memref<8x64x128xf32, #tpu.memory_space<vmem>> -> memref<1x64x128xf32, #tpu.memory_space<vmem>>
    %dma_wait3A_192 = tpu.memref_squeeze %dma_wait3A_191 : memref<1x64x128xf32, #tpu.memory_space<vmem>> -> memref<64x128xf32, #tpu.memory_space<vmem>>
    %dma_wait3A_193 = arith.constant 256 : i32
    %dma_wait3A_194 = tpu.memref_slice %arg5[%dma_wait3A_193] : memref<512xi32, #tpu.memory_space<vmem>> -> memref<64xi32, #tpu.memory_space<vmem>>
    %dma_wait3A_195 = arith.constant 0 : i32
    %dma_wait3A_196 = arith.constant 0 : i32
    %dma_wait3A_197 = tpu.memref_slice %arg7[%dma_wait3A_195, %dma_wait3A_196] : memref<1000x128xf32, #tpu.memory_space<vmem_shared>> -> memref<1000x128xf32, #tpu.memory_space<vmem_shared>>
    tpu.wait_indirect_dma semaphore(%arg12 : memref<!tpu.dma_semaphore, #tpu.memory_space<semaphore_mem>>) src(%dma_wait3A_197 : memref<1000x128xf32, #tpu.memory_space<vmem_shared>>) dst(%dma_wait3A_192 : memref<64x128xf32, #tpu.memory_space<vmem>>)
    %add3A_198 = arith.constant 256 : i32
    %add3A_199 = arith.addi %mul3A_2, %add3A_198 : i32
    %dma_start3A_200 = arith.constant 4 : i32
    %dma_start3A_201 = arith.constant 0 : i32
    %dma_start3A_202 = arith.constant 0 : i32
    %dma_start3A_203 = tpu.memref_slice %arg6[%dma_start3A_200, %dma_start3A_201, %dma_start3A_202] : memref<8x64x128xf32, #tpu.memory_space<vmem>> -> memref<1x64x128xf32, #tpu.memory_space<vmem>>
    %dma_start3A_204 = tpu.memref_squeeze %dma_start3A_203 : memref<1x64x128xf32, #tpu.memory_space<vmem>> -> memref<64x128xf32, #tpu.memory_space<vmem>>
    %dma_start3A_205 = arith.constant 0 : i32
    %dma_start3A_206 = tpu.memref_slice %arg4[%add3A_199, %dma_start3A_205] : memref<16384x128xf32, #tpu.memory_space<hbm>> -> memref<64x128xf32, #tpu.memory_space<hbm>>
    %dma_start3A_207 = arith.constant 0 : i32
    %dma_start3A_208 = tpu.memref_slice %arg4[%add3A_199, %dma_start3A_207] : memref<16384x128xf32, #tpu.memory_space<hbm>> -> memref<64x128xf32, #tpu.memory_space<hbm>>
    %dma_start3A_209 = arith.constant 0 : i32
    %dma_start3A_210 = arith.constant 0 : i32
    %dma_start3A_211 = tpu.memref_slice %arg6[%dma_start3A_200, %dma_start3A_209, %dma_start3A_210] : memref<8x64x128xf32, #tpu.memory_space<vmem>> -> memref<1x64x128xf32, #tpu.memory_space<vmem>>
    %dma_start3A_212 = tpu.memref_squeeze %dma_start3A_211 : memref<1x64x128xf32, #tpu.memory_space<vmem>> -> memref<64x128xf32, #tpu.memory_space<vmem>>
    tpu.enqueue_dma source(%dma_start3A_212 : memref<64x128xf32, #tpu.memory_space<vmem>>) target(%dma_start3A_208 : memref<64x128xf32, #tpu.memory_space<hbm>>) target_semaphore(%arg20 : memref<!tpu.dma_semaphore, #tpu.memory_space<semaphore_mem>>)
    %dma_wait3A_213 = arith.constant 5 : i32
    %dma_wait3A_214 = arith.constant 0 : i32
    %dma_wait3A_215 = arith.constant 0 : i32
    %dma_wait3A_216 = tpu.memref_slice %arg6[%dma_wait3A_213, %dma_wait3A_214, %dma_wait3A_215] : memref<8x64x128xf32, #tpu.memory_space<vmem>> -> memref<1x64x128xf32, #tpu.memory_space<vmem>>
    %dma_wait3A_217 = tpu.memref_squeeze %dma_wait3A_216 : memref<1x64x128xf32, #tpu.memory_space<vmem>> -> memref<64x128xf32, #tpu.memory_space<vmem>>
    %dma_wait3A_218 = arith.constant 320 : i32
    %dma_wait3A_219 = tpu.memref_slice %arg5[%dma_wait3A_218] : memref<512xi32, #tpu.memory_space<vmem>> -> memref<64xi32, #tpu.memory_space<vmem>>
    %dma_wait3A_220 = arith.constant 0 : i32
    %dma_wait3A_221 = arith.constant 0 : i32
    %dma_wait3A_222 = tpu.memref_slice %arg7[%dma_wait3A_220, %dma_wait3A_221] : memref<1000x128xf32, #tpu.memory_space<vmem_shared>> -> memref<1000x128xf32, #tpu.memory_space<vmem_shared>>
    tpu.wait_indirect_dma semaphore(%arg13 : memref<!tpu.dma_semaphore, #tpu.memory_space<semaphore_mem>>) src(%dma_wait3A_222 : memref<1000x128xf32, #tpu.memory_space<vmem_shared>>) dst(%dma_wait3A_217 : memref<64x128xf32, #tpu.memory_space<vmem>>)
    %add3A_223 = arith.constant 320 : i32
    %add3A_224 = arith.addi %mul3A_2, %add3A_223 : i32
    %dma_start3A_225 = arith.constant 5 : i32
    %dma_start3A_226 = arith.constant 0 : i32
    %dma_start3A_227 = arith.constant 0 : i32
    %dma_start3A_228 = tpu.memref_slice %arg6[%dma_start3A_225, %dma_start3A_226, %dma_start3A_227] : memref<8x64x128xf32, #tpu.memory_space<vmem>> -> memref<1x64x128xf32, #tpu.memory_space<vmem>>
    %dma_start3A_229 = tpu.memref_squeeze %dma_start3A_228 : memref<1x64x128xf32, #tpu.memory_space<vmem>> -> memref<64x128xf32, #tpu.memory_space<vmem>>
    %dma_start3A_230 = arith.constant 0 : i32
    %dma_start3A_231 = tpu.memref_slice %arg4[%add3A_224, %dma_start3A_230] : memref<16384x128xf32, #tpu.memory_space<hbm>> -> memref<64x128xf32, #tpu.memory_space<hbm>>
    %dma_start3A_232 = arith.constant 0 : i32
    %dma_start3A_233 = tpu.memref_slice %arg4[%add3A_224, %dma_start3A_232] : memref<16384x128xf32, #tpu.memory_space<hbm>> -> memref<64x128xf32, #tpu.memory_space<hbm>>
    %dma_start3A_234 = arith.constant 0 : i32
    %dma_start3A_235 = arith.constant 0 : i32
    %dma_start3A_236 = tpu.memref_slice %arg6[%dma_start3A_225, %dma_start3A_234, %dma_start3A_235] : memref<8x64x128xf32, #tpu.memory_space<vmem>> -> memref<1x64x128xf32, #tpu.memory_space<vmem>>
    %dma_start3A_237 = tpu.memref_squeeze %dma_start3A_236 : memref<1x64x128xf32, #tpu.memory_space<vmem>> -> memref<64x128xf32, #tpu.memory_space<vmem>>
    tpu.enqueue_dma source(%dma_start3A_237 : memref<64x128xf32, #tpu.memory_space<vmem>>) target(%dma_start3A_233 : memref<64x128xf32, #tpu.memory_space<hbm>>) target_semaphore(%arg21 : memref<!tpu.dma_semaphore, #tpu.memory_space<semaphore_mem>>)
    %dma_wait3A_238 = arith.constant 6 : i32
    %dma_wait3A_239 = arith.constant 0 : i32
    %dma_wait3A_240 = arith.constant 0 : i32
    %dma_wait3A_241 = tpu.memref_slice %arg6[%dma_wait3A_238, %dma_wait3A_239, %dma_wait3A_240] : memref<8x64x128xf32, #tpu.memory_space<vmem>> -> memref<1x64x128xf32, #tpu.memory_space<vmem>>
    %dma_wait3A_242 = tpu.memref_squeeze %dma_wait3A_241 : memref<1x64x128xf32, #tpu.memory_space<vmem>> -> memref<64x128xf32, #tpu.memory_space<vmem>>
    %dma_wait3A_243 = arith.constant 384 : i32
    %dma_wait3A_244 = tpu.memref_slice %arg5[%dma_wait3A_243] : memref<512xi32, #tpu.memory_space<vmem>> -> memref<64xi32, #tpu.memory_space<vmem>>
    %dma_wait3A_245 = arith.constant 0 : i32
    %dma_wait3A_246 = arith.constant 0 : i32
    %dma_wait3A_247 = tpu.memref_slice %arg7[%dma_wait3A_245, %dma_wait3A_246] : memref<1000x128xf32, #tpu.memory_space<vmem_shared>> -> memref<1000x128xf32, #tpu.memory_space<vmem_shared>>
    tpu.wait_indirect_dma semaphore(%arg14 : memref<!tpu.dma_semaphore, #tpu.memory_space<semaphore_mem>>) src(%dma_wait3A_247 : memref<1000x128xf32, #tpu.memory_space<vmem_shared>>) dst(%dma_wait3A_242 : memref<64x128xf32, #tpu.memory_space<vmem>>)
    %add3A_248 = arith.constant 384 : i32
    %add3A_249 = arith.addi %mul3A_2, %add3A_248 : i32
    %dma_start3A_250 = arith.constant 6 : i32
    %dma_start3A_251 = arith.constant 0 : i32
    %dma_start3A_252 = arith.constant 0 : i32
    %dma_start3A_253 = tpu.memref_slice %arg6[%dma_start3A_250, %dma_start3A_251, %dma_start3A_252] : memref<8x64x128xf32, #tpu.memory_space<vmem>> -> memref<1x64x128xf32, #tpu.memory_space<vmem>>
    %dma_start3A_254 = tpu.memref_squeeze %dma_start3A_253 : memref<1x64x128xf32, #tpu.memory_space<vmem>> -> memref<64x128xf32, #tpu.memory_space<vmem>>
    %dma_start3A_255 = arith.constant 0 : i32
    %dma_start3A_256 = tpu.memref_slice %arg4[%add3A_249, %dma_start3A_255] : memref<16384x128xf32, #tpu.memory_space<hbm>> -> memref<64x128xf32, #tpu.memory_space<hbm>>
    %dma_start3A_257 = arith.constant 0 : i32
    %dma_start3A_258 = tpu.memref_slice %arg4[%add3A_249, %dma_start3A_257] : memref<16384x128xf32, #tpu.memory_space<hbm>> -> memref<64x128xf32, #tpu.memory_space<hbm>>
    %dma_start3A_259 = arith.constant 0 : i32
    %dma_start3A_260 = arith.constant 0 : i32
    %dma_start3A_261 = tpu.memref_slice %arg6[%dma_start3A_250, %dma_start3A_259, %dma_start3A_260] : memref<8x64x128xf32, #tpu.memory_space<vmem>> -> memref<1x64x128xf32, #tpu.memory_space<vmem>>
    %dma_start3A_262 = tpu.memref_squeeze %dma_start3A_261 : memref<1x64x128xf32, #tpu.memory_space<vmem>> -> memref<64x128xf32, #tpu.memory_space<vmem>>
    tpu.enqueue_dma source(%dma_start3A_262 : memref<64x128xf32, #tpu.memory_space<vmem>>) target(%dma_start3A_258 : memref<64x128xf32, #tpu.memory_space<hbm>>) target_semaphore(%arg22 : memref<!tpu.dma_semaphore, #tpu.memory_space<semaphore_mem>>)
    %dma_wait3A_263 = arith.constant 7 : i32
    %dma_wait3A_264 = arith.constant 0 : i32
    %dma_wait3A_265 = arith.constant 0 : i32
    %dma_wait3A_266 = tpu.memref_slice %arg6[%dma_wait3A_263, %dma_wait3A_264, %dma_wait3A_265] : memref<8x64x128xf32, #tpu.memory_space<vmem>> -> memref<1x64x128xf32, #tpu.memory_space<vmem>>
    %dma_wait3A_267 = tpu.memref_squeeze %dma_wait3A_266 : memref<1x64x128xf32, #tpu.memory_space<vmem>> -> memref<64x128xf32, #tpu.memory_space<vmem>>
    %dma_wait3A_268 = arith.constant 448 : i32
    %dma_wait3A_269 = tpu.memref_slice %arg5[%dma_wait3A_268] : memref<512xi32, #tpu.memory_space<vmem>> -> memref<64xi32, #tpu.memory_space<vmem>>
    %dma_wait3A_270 = arith.constant 0 : i32
    %dma_wait3A_271 = arith.constant 0 : i32
    %dma_wait3A_272 = tpu.memref_slice %arg7[%dma_wait3A_270, %dma_wait3A_271] : memref<1000x128xf32, #tpu.memory_space<vmem_shared>> -> memref<1000x128xf32, #tpu.memory_space<vmem_shared>>
    tpu.wait_indirect_dma semaphore(%arg15 : memref<!tpu.dma_semaphore, #tpu.memory_space<semaphore_mem>>) src(%dma_wait3A_272 : memref<1000x128xf32, #tpu.memory_space<vmem_shared>>) dst(%dma_wait3A_267 : memref<64x128xf32, #tpu.memory_space<vmem>>)
    %add3A_273 = arith.constant 448 : i32
    %add3A_274 = arith.addi %mul3A_2, %add3A_273 : i32
    %dma_start3A_275 = arith.constant 7 : i32
    %dma_start3A_276 = arith.constant 0 : i32
    %dma_start3A_277 = arith.constant 0 : i32
    %dma_start3A_278 = tpu.memref_slice %arg6[%dma_start3A_275, %dma_start3A_276, %dma_start3A_277] : memref<8x64x128xf32, #tpu.memory_space<vmem>> -> memref<1x64x128xf32, #tpu.memory_space<vmem>>
    %dma_start3A_279 = tpu.memref_squeeze %dma_start3A_278 : memref<1x64x128xf32, #tpu.memory_space<vmem>> -> memref<64x128xf32, #tpu.memory_space<vmem>>
    %dma_start3A_280 = arith.constant 0 : i32
    %dma_start3A_281 = tpu.memref_slice %arg4[%add3A_274, %dma_start3A_280] : memref<16384x128xf32, #tpu.memory_space<hbm>> -> memref<64x128xf32, #tpu.memory_space<hbm>>
    %dma_start3A_282 = arith.constant 0 : i32
    %dma_start3A_283 = tpu.memref_slice %arg4[%add3A_274, %dma_start3A_282] : memref<16384x128xf32, #tpu.memory_space<hbm>> -> memref<64x128xf32, #tpu.memory_space<hbm>>
    %dma_start3A_284 = arith.constant 0 : i32
    %dma_start3A_285 = arith.constant 0 : i32
    %dma_start3A_286 = tpu.memref_slice %arg6[%dma_start3A_275, %dma_start3A_284, %dma_start3A_285] : memref<8x64x128xf32, #tpu.memory_space<vmem>> -> memref<1x64x128xf32, #tpu.memory_space<vmem>>
    %dma_start3A_287 = tpu.memref_squeeze %dma_start3A_286 : memref<1x64x128xf32, #tpu.memory_space<vmem>> -> memref<64x128xf32, #tpu.memory_space<vmem>>
    tpu.enqueue_dma source(%dma_start3A_287 : memref<64x128xf32, #tpu.memory_space<vmem>>) target(%dma_start3A_283 : memref<64x128xf32, #tpu.memory_space<hbm>>) target_semaphore(%arg23 : memref<!tpu.dma_semaphore, #tpu.memory_space<semaphore_mem>>)
    %dma_wait3A_288 = arith.constant 0 : i32
    %dma_wait3A_289 = arith.constant 0 : i32
    %dma_wait3A_290 = arith.constant 0 : i32
    %dma_wait3A_291 = tpu.memref_slice %arg6[%dma_wait3A_288, %dma_wait3A_289, %dma_wait3A_290] : memref<8x64x128xf32, #tpu.memory_space<vmem>> -> memref<1x64x128xf32, #tpu.memory_space<vmem>>
    %dma_wait3A_292 = tpu.memref_squeeze %dma_wait3A_291 : memref<1x64x128xf32, #tpu.memory_space<vmem>> -> memref<64x128xf32, #tpu.memory_space<vmem>>
    %dma_wait3A_293 = arith.constant 0 : i32
    %dma_wait3A_294 = tpu.memref_slice %arg4[%add3A_99, %dma_wait3A_293] : memref<16384x128xf32, #tpu.memory_space<hbm>> -> memref<64x128xf32, #tpu.memory_space<hbm>>
    %dma_wait3A_295 = arith.constant 0 : i32
    %dma_wait3A_296 = tpu.memref_slice %arg4[%add3A_99, %dma_wait3A_295] : memref<16384x128xf32, #tpu.memory_space<hbm>> -> memref<64x128xf32, #tpu.memory_space<hbm>>
    %dma_wait3A_297 = arith.constant 0 : i32
    %dma_wait3A_298 = arith.constant 0 : i32
    %dma_wait3A_299 = tpu.memref_slice %arg6[%dma_wait3A_288, %dma_wait3A_297, %dma_wait3A_298] : memref<8x64x128xf32, #tpu.memory_space<vmem>> -> memref<1x64x128xf32, #tpu.memory_space<vmem>>
    %dma_wait3A_300 = tpu.memref_squeeze %dma_wait3A_299 : memref<1x64x128xf32, #tpu.memory_space<vmem>> -> memref<64x128xf32, #tpu.memory_space<vmem>>
    tpu.wait_dma2 semaphore(%arg16 : memref<!tpu.dma_semaphore, #tpu.memory_space<semaphore_mem>>) src(%dma_wait3A_300 : memref<64x128xf32, #tpu.memory_space<vmem>>) dst(%dma_wait3A_296 : memref<64x128xf32, #tpu.memory_space<hbm>>)
    %dma_wait3A_301 = arith.constant 1 : i32
    %dma_wait3A_302 = arith.constant 0 : i32
    %dma_wait3A_303 = arith.constant 0 : i32
    %dma_wait3A_304 = tpu.memref_slice %arg6[%dma_wait3A_301, %dma_wait3A_302, %dma_wait3A_303] : memref<8x64x128xf32, #tpu.memory_space<vmem>> -> memref<1x64x128xf32, #tpu.memory_space<vmem>>
    %dma_wait3A_305 = tpu.memref_squeeze %dma_wait3A_304 : memref<1x64x128xf32, #tpu.memory_space<vmem>> -> memref<64x128xf32, #tpu.memory_space<vmem>>
    %dma_wait3A_306 = arith.constant 0 : i32
    %dma_wait3A_307 = tpu.memref_slice %arg4[%add3A_124, %dma_wait3A_306] : memref<16384x128xf32, #tpu.memory_space<hbm>> -> memref<64x128xf32, #tpu.memory_space<hbm>>
    %dma_wait3A_308 = arith.constant 0 : i32
    %dma_wait3A_309 = tpu.memref_slice %arg4[%add3A_124, %dma_wait3A_308] : memref<16384x128xf32, #tpu.memory_space<hbm>> -> memref<64x128xf32, #tpu.memory_space<hbm>>
    %dma_wait3A_310 = arith.constant 0 : i32
    %dma_wait3A_311 = arith.constant 0 : i32
    %dma_wait3A_312 = tpu.memref_slice %arg6[%dma_wait3A_301, %dma_wait3A_310, %dma_wait3A_311] : memref<8x64x128xf32, #tpu.memory_space<vmem>> -> memref<1x64x128xf32, #tpu.memory_space<vmem>>
    %dma_wait3A_313 = tpu.memref_squeeze %dma_wait3A_312 : memref<1x64x128xf32, #tpu.memory_space<vmem>> -> memref<64x128xf32, #tpu.memory_space<vmem>>
    tpu.wait_dma2 semaphore(%arg17 : memref<!tpu.dma_semaphore, #tpu.memory_space<semaphore_mem>>) src(%dma_wait3A_313 : memref<64x128xf32, #tpu.memory_space<vmem>>) dst(%dma_wait3A_309 : memref<64x128xf32, #tpu.memory_space<hbm>>)
    %dma_wait3A_314 = arith.constant 2 : i32
    %dma_wait3A_315 = arith.constant 0 : i32
    %dma_wait3A_316 = arith.constant 0 : i32
    %dma_wait3A_317 = tpu.memref_slice %arg6[%dma_wait3A_314, %dma_wait3A_315, %dma_wait3A_316] : memref<8x64x128xf32, #tpu.memory_space<vmem>> -> memref<1x64x128xf32, #tpu.memory_space<vmem>>
    %dma_wait3A_318 = tpu.memref_squeeze %dma_wait3A_317 : memref<1x64x128xf32, #tpu.memory_space<vmem>> -> memref<64x128xf32, #tpu.memory_space<vmem>>
    %dma_wait3A_319 = arith.constant 0 : i32
    %dma_wait3A_320 = tpu.memref_slice %arg4[%add3A_149, %dma_wait3A_319] : memref<16384x128xf32, #tpu.memory_space<hbm>> -> memref<64x128xf32, #tpu.memory_space<hbm>>
    %dma_wait3A_321 = arith.constant 0 : i32
    %dma_wait3A_322 = tpu.memref_slice %arg4[%add3A_149, %dma_wait3A_321] : memref<16384x128xf32, #tpu.memory_space<hbm>> -> memref<64x128xf32, #tpu.memory_space<hbm>>
    %dma_wait3A_323 = arith.constant 0 : i32
    %dma_wait3A_324 = arith.constant 0 : i32
    %dma_wait3A_325 = tpu.memref_slice %arg6[%dma_wait3A_314, %dma_wait3A_323, %dma_wait3A_324] : memref<8x64x128xf32, #tpu.memory_space<vmem>> -> memref<1x64x128xf32, #tpu.memory_space<vmem>>
    %dma_wait3A_326 = tpu.memref_squeeze %dma_wait3A_325 : memref<1x64x128xf32, #tpu.memory_space<vmem>> -> memref<64x128xf32, #tpu.memory_space<vmem>>
    tpu.wait_dma2 semaphore(%arg18 : memref<!tpu.dma_semaphore, #tpu.memory_space<semaphore_mem>>) src(%dma_wait3A_326 : memref<64x128xf32, #tpu.memory_space<vmem>>) dst(%dma_wait3A_322 : memref<64x128xf32, #tpu.memory_space<hbm>>)
    %dma_wait3A_327 = arith.constant 3 : i32
    %dma_wait3A_328 = arith.constant 0 : i32
    %dma_wait3A_329 = arith.constant 0 : i32
    %dma_wait3A_330 = tpu.memref_slice %arg6[%dma_wait3A_327, %dma_wait3A_328, %dma_wait3A_329] : memref<8x64x128xf32, #tpu.memory_space<vmem>> -> memref<1x64x128xf32, #tpu.memory_space<vmem>>
    %dma_wait3A_331 = tpu.memref_squeeze %dma_wait3A_330 : memref<1x64x128xf32, #tpu.memory_space<vmem>> -> memref<64x128xf32, #tpu.memory_space<vmem>>
    %dma_wait3A_332 = arith.constant 0 : i32
    %dma_wait3A_333 = tpu.memref_slice %arg4[%add3A_174, %dma_wait3A_332] : memref<16384x128xf32, #tpu.memory_space<hbm>> -> memref<64x128xf32, #tpu.memory_space<hbm>>
    %dma_wait3A_334 = arith.constant 0 : i32
    %dma_wait3A_335 = tpu.memref_slice %arg4[%add3A_174, %dma_wait3A_334] : memref<16384x128xf32, #tpu.memory_space<hbm>> -> memref<64x128xf32, #tpu.memory_space<hbm>>
    %dma_wait3A_336 = arith.constant 0 : i32
    %dma_wait3A_337 = arith.constant 0 : i32
    %dma_wait3A_338 = tpu.memref_slice %arg6[%dma_wait3A_327, %dma_wait3A_336, %dma_wait3A_337] : memref<8x64x128xf32, #tpu.memory_space<vmem>> -> memref<1x64x128xf32, #tpu.memory_space<vmem>>
    %dma_wait3A_339 = tpu.memref_squeeze %dma_wait3A_338 : memref<1x64x128xf32, #tpu.memory_space<vmem>> -> memref<64x128xf32, #tpu.memory_space<vmem>>
    tpu.wait_dma2 semaphore(%arg19 : memref<!tpu.dma_semaphore, #tpu.memory_space<semaphore_mem>>) src(%dma_wait3A_339 : memref<64x128xf32, #tpu.memory_space<vmem>>) dst(%dma_wait3A_335 : memref<64x128xf32, #tpu.memory_space<hbm>>)
    %dma_wait3A_340 = arith.constant 4 : i32
    %dma_wait3A_341 = arith.constant 0 : i32
    %dma_wait3A_342 = arith.constant 0 : i32
    %dma_wait3A_343 = tpu.memref_slice %arg6[%dma_wait3A_340, %dma_wait3A_341, %dma_wait3A_342] : memref<8x64x128xf32, #tpu.memory_space<vmem>> -> memref<1x64x128xf32, #tpu.memory_space<vmem>>
    %dma_wait3A_344 = tpu.memref_squeeze %dma_wait3A_343 : memref<1x64x128xf32, #tpu.memory_space<vmem>> -> memref<64x128xf32, #tpu.memory_space<vmem>>
    %dma_wait3A_345 = arith.constant 0 : i32
    %dma_wait3A_346 = tpu.memref_slice %arg4[%add3A_199, %dma_wait3A_345] : memref<16384x128xf32, #tpu.memory_space<hbm>> -> memref<64x128xf32, #tpu.memory_space<hbm>>
    %dma_wait3A_347 = arith.constant 0 : i32
    %dma_wait3A_348 = tpu.memref_slice %arg4[%add3A_199, %dma_wait3A_347] : memref<16384x128xf32, #tpu.memory_space<hbm>> -> memref<64x128xf32, #tpu.memory_space<hbm>>
    %dma_wait3A_349 = arith.constant 0 : i32
    %dma_wait3A_350 = arith.constant 0 : i32
    %dma_wait3A_351 = tpu.memref_slice %arg6[%dma_wait3A_340, %dma_wait3A_349, %dma_wait3A_350] : memref<8x64x128xf32, #tpu.memory_space<vmem>> -> memref<1x64x128xf32, #tpu.memory_space<vmem>>
    %dma_wait3A_352 = tpu.memref_squeeze %dma_wait3A_351 : memref<1x64x128xf32, #tpu.memory_space<vmem>> -> memref<64x128xf32, #tpu.memory_space<vmem>>
    tpu.wait_dma2 semaphore(%arg20 : memref<!tpu.dma_semaphore, #tpu.memory_space<semaphore_mem>>) src(%dma_wait3A_352 : memref<64x128xf32, #tpu.memory_space<vmem>>) dst(%dma_wait3A_348 : memref<64x128xf32, #tpu.memory_space<hbm>>)
    %dma_wait3A_353 = arith.constant 5 : i32
    %dma_wait3A_354 = arith.constant 0 : i32
    %dma_wait3A_355 = arith.constant 0 : i32
    %dma_wait3A_356 = tpu.memref_slice %arg6[%dma_wait3A_353, %dma_wait3A_354, %dma_wait3A_355] : memref<8x64x128xf32, #tpu.memory_space<vmem>> -> memref<1x64x128xf32, #tpu.memory_space<vmem>>
    %dma_wait3A_357 = tpu.memref_squeeze %dma_wait3A_356 : memref<1x64x128xf32, #tpu.memory_space<vmem>> -> memref<64x128xf32, #tpu.memory_space<vmem>>
    %dma_wait3A_358 = arith.constant 0 : i32
    %dma_wait3A_359 = tpu.memref_slice %arg4[%add3A_224, %dma_wait3A_358] : memref<16384x128xf32, #tpu.memory_space<hbm>> -> memref<64x128xf32, #tpu.memory_space<hbm>>
    %dma_wait3A_360 = arith.constant 0 : i32
    %dma_wait3A_361 = tpu.memref_slice %arg4[%add3A_224, %dma_wait3A_360] : memref<16384x128xf32, #tpu.memory_space<hbm>> -> memref<64x128xf32, #tpu.memory_space<hbm>>
    %dma_wait3A_362 = arith.constant 0 : i32
    %dma_wait3A_363 = arith.constant 0 : i32
    %dma_wait3A_364 = tpu.memref_slice %arg6[%dma_wait3A_353, %dma_wait3A_362, %dma_wait3A_363] : memref<8x64x128xf32, #tpu.memory_space<vmem>> -> memref<1x64x128xf32, #tpu.memory_space<vmem>>
    %dma_wait3A_365 = tpu.memref_squeeze %dma_wait3A_364 : memref<1x64x128xf32, #tpu.memory_space<vmem>> -> memref<64x128xf32, #tpu.memory_space<vmem>>
    tpu.wait_dma2 semaphore(%arg21 : memref<!tpu.dma_semaphore, #tpu.memory_space<semaphore_mem>>) src(%dma_wait3A_365 : memref<64x128xf32, #tpu.memory_space<vmem>>) dst(%dma_wait3A_361 : memref<64x128xf32, #tpu.memory_space<hbm>>)
    %dma_wait3A_366 = arith.constant 6 : i32
    %dma_wait3A_367 = arith.constant 0 : i32
    %dma_wait3A_368 = arith.constant 0 : i32
    %dma_wait3A_369 = tpu.memref_slice %arg6[%dma_wait3A_366, %dma_wait3A_367, %dma_wait3A_368] : memref<8x64x128xf32, #tpu.memory_space<vmem>> -> memref<1x64x128xf32, #tpu.memory_space<vmem>>
    %dma_wait3A_370 = tpu.memref_squeeze %dma_wait3A_369 : memref<1x64x128xf32, #tpu.memory_space<vmem>> -> memref<64x128xf32, #tpu.memory_space<vmem>>
    %dma_wait3A_371 = arith.constant 0 : i32
    %dma_wait3A_372 = tpu.memref_slice %arg4[%add3A_249, %dma_wait3A_371] : memref<16384x128xf32, #tpu.memory_space<hbm>> -> memref<64x128xf32, #tpu.memory_space<hbm>>
    %dma_wait3A_373 = arith.constant 0 : i32
    %dma_wait3A_374 = tpu.memref_slice %arg4[%add3A_249, %dma_wait3A_373] : memref<16384x128xf32, #tpu.memory_space<hbm>> -> memref<64x128xf32, #tpu.memory_space<hbm>>
    %dma_wait3A_375 = arith.constant 0 : i32
    %dma_wait3A_376 = arith.constant 0 : i32
    %dma_wait3A_377 = tpu.memref_slice %arg6[%dma_wait3A_366, %dma_wait3A_375, %dma_wait3A_376] : memref<8x64x128xf32, #tpu.memory_space<vmem>> -> memref<1x64x128xf32, #tpu.memory_space<vmem>>
    %dma_wait3A_378 = tpu.memref_squeeze %dma_wait3A_377 : memref<1x64x128xf32, #tpu.memory_space<vmem>> -> memref<64x128xf32, #tpu.memory_space<vmem>>
    tpu.wait_dma2 semaphore(%arg22 : memref<!tpu.dma_semaphore, #tpu.memory_space<semaphore_mem>>) src(%dma_wait3A_378 : memref<64x128xf32, #tpu.memory_space<vmem>>) dst(%dma_wait3A_374 : memref<64x128xf32, #tpu.memory_space<hbm>>)
    %dma_wait3A_379 = arith.constant 7 : i32
    %dma_wait3A_380 = arith.constant 0 : i32
    %dma_wait3A_381 = arith.constant 0 : i32
    %dma_wait3A_382 = tpu.memref_slice %arg6[%dma_wait3A_379, %dma_wait3A_380, %dma_wait3A_381] : memref<8x64x128xf32, #tpu.memory_space<vmem>> -> memref<1x64x128xf32, #tpu.memory_space<vmem>>
    %dma_wait3A_383 = tpu.memref_squeeze %dma_wait3A_382 : memref<1x64x128xf32, #tpu.memory_space<vmem>> -> memref<64x128xf32, #tpu.memory_space<vmem>>
    %dma_wait3A_384 = arith.constant 0 : i32
    %dma_wait3A_385 = tpu.memref_slice %arg4[%add3A_274, %dma_wait3A_384] : memref<16384x128xf32, #tpu.memory_space<hbm>> -> memref<64x128xf32, #tpu.memory_space<hbm>>
    %dma_wait3A_386 = arith.constant 0 : i32
    %dma_wait3A_387 = tpu.memref_slice %arg4[%add3A_274, %dma_wait3A_386] : memref<16384x128xf32, #tpu.memory_space<hbm>> -> memref<64x128xf32, #tpu.memory_space<hbm>>
    %dma_wait3A_388 = arith.constant 0 : i32
    %dma_wait3A_389 = arith.constant 0 : i32
    %dma_wait3A_390 = tpu.memref_slice %arg6[%dma_wait3A_379, %dma_wait3A_388, %dma_wait3A_389] : memref<8x64x128xf32, #tpu.memory_space<vmem>> -> memref<1x64x128xf32, #tpu.memory_space<vmem>>
    %dma_wait3A_391 = tpu.memref_squeeze %dma_wait3A_390 : memref<1x64x128xf32, #tpu.memory_space<vmem>> -> memref<64x128xf32, #tpu.memory_space<vmem>>
    tpu.wait_dma2 semaphore(%arg23 : memref<!tpu.dma_semaphore, #tpu.memory_space<semaphore_mem>>) src(%dma_wait3A_391 : memref<64x128xf32, #tpu.memory_space<vmem>>) dst(%dma_wait3A_387 : memref<64x128xf32, #tpu.memory_space<hbm>>)
    return
  }
}

</mosaic_0001>

<sc_bundles>
// kernel: kernel.3.cloned.1.call-start
scs
__scs_entry_jumppad:
0x0: {  	(pc) =	sbr.rel $0x88, $3  }
0x1: {  	(tag) =	ssettag $0x0;
	lr =	simm.s32 $0x1  }
0x2: {  	[smem:$0x3F9F] =	sst lr;
	_ =	strace $0xD0000000  }
0x3: {  	_ = 	snop  }
0x4: {  	_ = 	snop  }
0x5: {  	_ = 	snop  }
0x6: {  	_ = 	snop  }
0x7: {  	_ = 	snop  }
__scs_overlays_trampoline_lowered:
0x8: {  	[smem:$0x3FAE] =	sst s0  }
0x9: {  	[smem:$0x3FAF] =	sst s1  }
0xa: {  	[smem:$0x3FB0] =	sst s2  }
0xb: {  	[smem:$0x3FB1] =	sst s3  }
0xc: {  	[smem:$0x3FB2] =	sst s4  }
0xd: {  	[smem:$0x3FB3] =	sst s5  }
0xe: {  	[smem:$0x3FB4] =	sst s6  }
0xf: {  	[smem:$0x3FB5] =	sst s7  }
0x10: {  	[smem:$0x3FB6] =	sst s8  }
0x11: {  	[smem:$0x3FB7] =	sst s9;
	s0 =	simm.s32 @!p0 $0x0  }
0x12: {  	s1 =	sld [smem:$0x3F9D];
	s0 =	simm.s32 @p0 $0x1  }
0x13: {  	[smem:$0x3FB8] =	sst s0;
	s0 =	simm.s32 @!p1 $0x0  }
0x14: {  	s2 =	sld [smem:$0x3F9C];
	s0 =	simm.s32 @p1 $0x1  }
0x15: {  	[smem:$0x3FB9] =	sst s0;
	s0 =	simm.s32 @!p2 $0x0  }
0x16: {  	s3 =	sld [smem:$0x3FDB];
	s0 =	simm.s32 @p2 $0x1  }
0x17: {  	s4 =	simm.s32 $0x1BF5;
	[smem:$0x3FBB] =	sst s0  }
0x18: {  	s0 =	sld [smem:$0x3F9E];
	_ =	swait.ge [sflag:s4], $0x0  }
0x19: {  	s7 =	sld [smem:$0x3F9F]  }
0x1a: {  	s8 =	sadd.s32 $0xFFFFE003, lr  }
0x1b: {  	s9 =	sadd.s32 $0xFFFFFEF7, lr;
	s5 =	simm.s32 $0xFFFFFFFF;
	p2 =	slt.u32 s8, $0xFFFFF086  }
0x1c: {  	p1 =	slt.u32 s9, $0xF7A;
	s5 =	simm.s32 @!p2 $0x0  }
0x1d: {  	s5 =	simm.s32 @p1 $0x1;
	p0 =	seq.s32 s7, s2  }
0x1e: {  	s7 =	smul.u32 @!p0 $0xF7A, s2;
	p2 =	seq.s32 @!p0 s5, $0x0  }
0x1f: {  	s9 =	smul.u32 $0xF7A, s1;
	s8 =	simm.s32 @!p0 $0x1BF5;
	p2 =	por !p2, p0  }
0x20: {  	[sflag:s8] =	ssyncset.s32 @!p0 $0xFFFFF086;
	s6 =	sadd.s32 @!p0 s3, s7;
	s7 =	simm.s32 @!p0 $0x108  }
0x21: {  	s3 =	sadd.s32 s3, s9;
	s6 =	sadd.s32 @!p0 $0x88, s6;
	s7 =	simm.s32 @p2 $0x1082  }
0x22: {  	[simem:s7], [sflag:s8] =	dma.local @!p0 [hbm:s6], $0xF7A  }
0x23: {  	s9 =	sor.u32 $0xD0000000, s2;
	s6 =	simm.s32 $0x108;
	_ =	swait.ge @!p0 [sflag:s8], $0x0  }
0x24: {  	s3 =	sadd.s32 $0x88, s3;
	s6 =	simm.s32 @!p1 $0x1082;
	[sflag:s4] =	ssyncset.s32 $0xFFFFF086  }
0x25: {  	[simem:s6], [sflag:s4] =	dma.local [hbm:s3], $0xF7A  }
0x26: {  	[smem:$0x3F9F] =	sst s1;
	(tag) =	ssettag s2;
	_ =	strace s9  }
0x27: {  	s1 =	sld [smem:$0x3FAF]  }
0x28: {  	s2 =	sld [smem:$0x3FB0]  }
0x29: {  	s4 =	sld [smem:$0x3FB2]  }
0x2a: {  	p0 =	seq.s32 s5, $0x0;
	s5 =	sld [smem:$0x3FB3]  }
0x2b: {  	s6 =	sld [smem:$0x3FB4]  }
0x2c: {  	s7 =	sld [smem:$0x3FB5]  }
0x2d: {  	s3 =	simm.s32 $0x108;
	s8 =	sld [smem:$0x3FB6]  }
0x2e: {  	s3 =	simm.s32 @!p0 $0x1082;
	s9 =	sld [smem:$0x3FB7]  }
0x2f: {  	lr =	sadd.s32 s0, s3;
	s0 =	sld [smem:$0x3FAE]  }
0x30: {  	s3 =	sld [smem:$0x3FB1]  }
0x31: {  	[smem:$0x3FBA] =	sst s10  }
0x32: {  	s10 =	sld [smem:$0x3FB8];
	_ =	sdelay $0x3  }
0x33: {  	p0 =	seq.s32 s10, $0x1;
	s10 =	sld [smem:$0x3FBA];
	_ =	sdelay $0x3  }
0x34: {  	[smem:$0x3FBA] =	sst s10  }
0x35: {  	s10 =	sld [smem:$0x3FB9];
	_ =	sdelay $0x3  }
0x36: {  	p1 =	seq.s32 s10, $0x1;
	s10 =	sld [smem:$0x3FBA];
	_ =	sdelay $0x3  }
0x37: {  	[smem:$0x3FBA] =	sst s10  }
0x38: {  	s10 =	sld [smem:$0x3FBB]  }
0x39: {  	_ = 	snop;
	(pc) =	sbr.ind lr, $3  }
0x3a: {  	_ = 	snop  }
0x3b: {  	_ = 	snop  }
0x3c: {  	p2 =	seq.s32 s10, $0x1;
	s10 =	sld [smem:$0x3FBA]  }
0x3d: {  	_ =	shalt  }
0x3e: {  	_ =	shalt  }
0x3f: {  	_ =	shalt  }
0x40: {  	_ =	shalt  }
0x41: {  	_ =	shalt  }
0x42: {  	_ =	shalt  }
0x43: {  	_ =	shalt  }
0x44: {  	_ =	shalt  }
0x45: {  	_ =	shalt  }
0x46: {  	_ =	shalt  }
0x47: {  	_ =	shalt  }
0x48: {  	_ =	shalt  }
0x49: {  	_ =	shalt  }
0x4a: {  	_ =	shalt  }
0x4b: {  	_ =	shalt  }
0x4c: {  	_ =	shalt  }
0x4d: {  	_ =	shalt  }
0x4e: {  	_ =	shalt  }
0x4f: {  	_ =	shalt  }
0x50: {  	_ =	shalt  }
0x51: {  	_ =	shalt  }
0x52: {  	_ =	shalt  }
0x53: {  	_ =	shalt  }
0x54: {  	_ =	shalt  }
0x55: {  	_ =	shalt  }
0x56: {  	_ =	shalt  }
0x57: {  	_ =	shalt  }
0x58: {  	_ =	shalt  }
0x59: {  	_ =	shalt  }
0x5a: {  	_ =	shalt  }
0x5b: {  	_ =	shalt  }
0x5c: {  	_ =	shalt  }
0x5d: {  	_ =	shalt  }
0x5e: {  	_ =	shalt  }
0x5f: {  	_ =	shalt  }
0x60: {  	_ =	shalt  }
0x61: {  	_ =	shalt  }
0x62: {  	_ =	shalt  }
0x63: {  	_ =	shalt  }
0x64: {  	_ =	shalt  }
0x65: {  	_ =	shalt  }
0x66: {  	_ =	shalt  }
0x67: {  	_ =	shalt  }
0x68: {  	_ =	shalt  }
0x69: {  	_ =	shalt  }
0x6a: {  	_ =	shalt  }
0x6b: {  	_ =	shalt  }
0x6c: {  	_ =	shalt  }
0x6d: {  	_ =	shalt  }
0x6e: {  	_ =	shalt  }
0x6f: {  	_ =	shalt  }
0x70: {  	_ =	shalt  }
0x71: {  	_ =	shalt  }
0x72: {  	_ =	shalt  }
0x73: {  	_ =	shalt  }
0x74: {  	_ =	shalt  }
0x75: {  	_ =	shalt  }
0x76: {  	_ =	shalt  }
0x77: {  	_ =	shalt  }
0x78: {  	_ =	shalt  }
0x79: {  	_ =	shalt  }
0x7a: {  	_ =	shalt  }
0x7b: {  	_ =	shalt  }
0x7c: {  	_ =	shalt  }
0x7d: {  	_ =	shalt  }
0x7e: {  	_ =	shalt  }
0x7f: {  	_ =	shalt  }
0x80: {  	_ =	shalt  }
0x81: {  	_ =	shalt  }
0x82: {  	_ =	shalt  }
0x83: {  	_ =	shalt  }
0x84: {  	_ =	shalt  }
0x85: {  	_ =	shalt  }
0x86: {  	_ =	shalt  }
0x87: {  	_ =	shalt  }
.Lfunc_end0:
.L_simem_size_0:
called_computation_lowered:
.L_overlay_start_0:
0x88: {  	s2 =	sld [smem:$0x3FD9]  }
0x89: {  	s3 =	sld [smem:$0x3FFE];
	_ =	sdelay $0x1  }
0x8a: {  	s1 =	srdreg.scid  }
0x8b: {  	s0 =	sand.u32 $0x1, s1  }
0x8c: {  	s18 =	sshll.u32 s0, $0xA;
	s2 =	sadd.s32 s3, s2  }
0x8d: {  	s2 =	sadd.s32 s2, s18  }
0x8e: {  	[smem:$0x3FC6] =	sst s2  }
0x8f: {  	_ = 	snop  }
0x90: {  	s2 =	sld [smem:$0x3FC9]  }
0x91: {  	s19 =	sld [smem:$0x3FC8]  }
0x92: {  	s4 =	sld [smem:$0x3FD0];
	(tm) =	ssettm $0x1  }
0x93: {  	s5 =	sld [smem:$0x3FFB];
	_ =	sdelay $0x3  }
0x94: {  	_ =	strace s5  }
0x95: {  	s5 =	sld [smem:$0x3FFC];
	_ =	sdelay $0x3  }
0x96: {  	_ =	strace s5  }
0x97: {  	s5 =	sld [smem:$0x3FFD];
	_ =	sdelay $0x3  }
0x98: {  	_ =	strace s5  }
0x99: {  	_ =	strace $0x8FFFFFFF  }
0x9a: {  	s20 =	sld [smem:$0x3FDB];
	_ =	sdelay $0x1  }
0x9b: {  	s6 =	simm.s32 $_scs_section_size  }
0x9c: {  	s7 =	simm.s32 $_size__tile_overlayer_lowered;
	s8 =	simm.s32 $_tile_overlayer_lowered  }
0x9d: {  	s23 =	simm.s32 $0x1BFF;
	s22 =	sshll.u32 s8, $0x1;
	s5 =	sadd.s32 s6, s20  }
0x9e: {  	s9 =	simm.s32 $0x0;
	s21 =	sshll.u32 s7, $0x1;
	s7 =	sadd.s32 s22, s5  }
0x9f: {  	[timem:s9], [sflag:s23] =	dma.local [hbm:s7], s21  }
0xa0: {  	_ =	swait.ge [sflag:s23], s21  }
0xa1: {  	s6 =	ssub.s32 $0x0, s21;
	[sflag:s23] =	ssyncset.done $0x0  }
0xa2: {  	[sflag:s23] =	ssyncadd.s32 s6;
	_ =	sdelay $0x1  }
0xa3: {  	s24 =	simm.s32 $0x1B8B  }
0xa4: {  	_ =	swait.ge [sflag:s24], $0x1  }
0xa5: {  	[sflag:s24] =	ssyncset.done $0x0  }
0xa6: {  	s25 =	simm.s32 $0x1B8E;
	[sflag:s24] =	ssyncadd.s32 $0xFFFFFFFF  }
0xa7: {  	s26 =	simm.s32 $execute0_lowered;
	[smem:$0x3FD2] =	sst s25  }
0xa8: {  	s6 =	sshll.u32 s26, $0x1;
	_ =	strace $0x80000046;
	[dreg:$0x1] =	wrdreg $0xFFFFFFFF  }
0xa9: {  	s28 =	simm.s32 $_size_execute0_lowered;
	s5 =	sadd.s32 s5, s6;
	[dreg:$0x0] =	wrdreg $0x0  }
0xaa: {  	s6 =	sshll.u32 s28, $0x1;
	[dreg:$0x2] =	wrdreg s5  }
0xab: {  	[dreg:$0x3] =	wrdreg s6  }
0xac: {  	[dreg:$0x4] =	wrdreg $0xC0  }
0xad: {  	_ =	task [dreg:s9], $0x5FFFF  }
0xae: {  	[dreg:$0x1] =	wrdreg $0xFFFFFFFF  }
0xaf: {  	[dreg:$0x0] =	wrdreg $0x60  }
0xb0: {  	[dreg:$0x2] =	wrdreg s2  }
0xb1: {  	[dreg:$0x3] =	wrdreg s19  }
0xb2: {  	[dreg:$0x4] =	wrdreg s4  }
0xb3: {  	[dreg:$0x5] =	wrdreg $0x102000  }
0xb4: {  	[dreg:$0x6] =	wrdreg $0x9  }
0xb5: {  	_ =	task.clear_ibuf [dreg:s9], $0x7FFFF;
	_ =	strace $0x90000046  }
0xb6: {  	s29 =	simm.s32 $0x9;
	_ =	strace $0x80000048  }
0xb7: {  	_ =	swait.ge [sflag:s29], $0x1  }
0xb8: {  	[sflag:s29] =	ssyncadd.s32 $0xFFFFFFFF  }
0xb9: {  	_ =	strace $0x90000048  }
0xba: {  	_ =	sfence  }
0xbb: {  	s30 =	sld [smem:$0x0];
	_ =	sdelay $0x2  }
0xbc: {  	s31 =	sshll.u32 s1, $0xD;
	s1 =	sshrl.u32 s1, $0x2  }
0xbd: {  	s3 =	sand.u32 $0x4000, s31;
	s1 =	sadd.s32 s1, s30  }
0xbe: {  	s0 =	sor.u32 s3, s0;
	s1 =	sshll.u32 s1, $0x11  }
0xbf: {  	s0 =	sor.u32 s1, s0  }
0xc0: {  	s0 =	sadd.s32 $0x8F2B, s0  }
0xc1: {  	[sflag:s0] =	ssyncadd.remote.s32 $0x1  }
0xc2: {  	_ =	sfence.sel $0xFFFF  }
0xc3: {  	[dreg:$0x0] =	wrdreg $0xFFFFFFFF;
	(pc) =	sbr.abs _section_cstart, $3  }
0xc4: {  	[dreg:$0x1] =	wrdreg $0xFFFFFFFF  }
0xc5: {  	_ =	task.clear_ibuf [dreg:s9], $0x2FFFF;
	_ =	strace $0x9FFFFFFF  }
0xc6: {  	(tm) =	ssettm $0x7FFFFFFF  }
0xc7: {  	_ =	shalt  }
tec
execute0_lowered:
.L_overlay_start_1:
0x0: {  	(tag) =	ssettag $0x1  }
0x1: {  	s0 =	rddreg [dreg:$0x0]  }
0x2: {  	s8 =	rddreg [dreg:$0x1]  }
0x3: {  	s1 =	srdreg.scid;
	s5 =	rddreg [dreg:$0x2]  }
0x4: {  	s3 =	stileid.u32;
	s2 =	rddreg [dreg:$0x3]  }
0x5: {  	s23 =	simm.s32 $0x40;
	s19 =	simm.s32 $0x80;
	s20 =	simm.s32 $0xC0  }
0x6: {  	s21 =	simm.s32 $0x100;
	s22 =	simm.s32 $0x140;
	s31 =	simm.s32 $0x8200  }
0x7: {  	s4 =	sand.u32 $0x1, s1;
	s1 =	simm.s32 $0x0;
	p0 =	sne.s32 s3, $0x0  }
0x8: {  	s26 =	sshll.u32 s3, $0xA;
	[smem:$0x7FF] =	sst s1;
	s3 =	sshrl.u32 @!p0 s2, $0x3  }
0x9: {  	s24 =	simm.s32 $0x180;
	_ =	strace $0x80000047;
	[dreg:$0xc] =	wrdreg s3  }
0xa: {  	s25 =	simm.s32 $0x1C0;
	s18 =	simm.s32 $0xC200;
	[dreg:$0xd] =	wrdreg s19  }
0xb: {  	s30 =	simm.s32 $0x1;
	s28 =	simm.s32 $0x2;
	[dreg:$0xe] =	wrdreg s20  }
0xc: {  	s16 =	simm.s32 $0x9;
	p1 =	por $0x0, $0x0;
	[dreg:$0xf] =	wrdreg s21  }
0xd: {  	s6 =	sshll.u32 s4, $0x9;
	s4 =	ssub.s32 $0x2, s4;
	[dreg:$0x10] =	wrdreg s22  }
0xe: {  	s6 =	sor.u32 s6, s26;
	s9 =	sshrl.u32 s4, $0x1;
	[dreg:$0x11] =	wrdreg s24  }
0xf: {  	s20 =	simm.s32 $0xA200;
	[dreg:$0x12] =	wrdreg s25;
	s26 =	simm.s32 $0x200  }
0x10: {  	s25 =	simm.s32 $0x4;
	s24 =	simm.s32 $0x5;
	s22 =	simm.s32 $0x6  }
0x11: {  	s21 =	simm.s32 $0x7;
	s19 =	simm.s32 $0x8;
	s7 =	sshll.u32 s6, $0x4  }
0x12: {  	s4 =	ssub.s32 s4, s9;
	s6 =	sshrl.u32 s6, $0x3;
	s17 =	sadd.s32 s5, s7  }
0x13: {  	[dreg:$0x13] =	wrdreg s26;
	s26 =	simm.s32 $0x3;
	s5 =	sadd.s32 $0x400, s17  }
0x14: {  	s29 =	sadd.s32 s0, s6;
	s7 =	sadd.s32 $0x800, s17;
	[dreg:$0x5] =	wrdreg s5  }
0x15: {  	s15 =	smax.u32 s4, $0x1;
	s10 =	sadd.s32 $0xC00, s17;
	[dreg:$0x6] =	wrdreg s7  }
0x16: {  	s11 =	sadd.s32 $0x1000, s17;
	s0 =	sadd.s32 $0xFFFFFFFF, s15;
	[dreg:$0x7] =	wrdreg s10  }
0x17: {  	s12 =	sadd.s32 $0x1400, s17;
	[dreg:$0x8] =	wrdreg s11;
	p2 =	sne.s32 s0, $0x0  }
.Ltmp0:
0x18: {  	s13 =	sadd.s32 $0x1800, s17;
	[dreg:$0x9] =	wrdreg s12;
	(pc) =	sbr.rel @!p2 .LBB2_5-.Ltmp0, $4  }
0x19: {  	s4 =	simm.s32 $0x10;
	s14 =	sadd.s32 $0x1C00, s17;
	[dreg:$0xa] =	wrdreg s13  }
0x1a: {  	s15 =	simm.s32 $0xA;
	[dreg:$0xb] =	wrdreg s14;
	s14 =	simm.s32 $0x2200  }
0x1b: {  	s11 =	simm.s32 $0xE200;
	s12 =	simm.s32 $0xB;
	s13 =	simm.s32 $0xC  }
0x1c: {  	s10 =	simm.s32 $0xD;
	s7 =	simm.s32 $0xE;
	s5 =	simm.s32 $0xF  }
0x1d: {  	s11 =	simm.s32 @p0 $0x0;
	[dreg:$0x14] =	wrdreg s0;
	s0 =	simm.s32 @p0 $0x12  }
0x1e: {  	[tilespmem:s11], [sflag:$0x12] =	stream.linear.gather @p0 [hbm4b:s29+s11], $0x200, $0x38;
	[tilespmem:$0x12140] =	vst v63  }
0x1f: {  	s18 =	simm.s32 @!p0 $0x0;
	s6 =	simm.s32 @!p0 $0x12;
	_ =	swait.ge @p0 [sflag:s0], $0x200  }
0x20: {  	s20 =	simm.s32 @!p0 $0x1C11;
	s3 =	simm.s32 @p0 $0x40;
	[sflag:s0] =	ssyncset.done @p0 $0x0  }
0x21: {  	s5 =	simm.s32 @p0 $0x200;
	s9 =	rddreg [dreg:$0xc];
	[sflag:s0] =	ssyncadd.s32 @p0 $0xFFFFFE00  }
0x22: {  	[tilespmem:s5], [sflag:$0x1] =	stream.indirect.gather @p0 [hbm4b:s8+s3], $0x80, s11, s3, $0xb8;
	[tilespmem:$0x12140] =	vst v63  }
0x23: {  	[spmem:s9], [sflag:s20] =	dma.local @!p0 [hbm:s8], $0x3E80  }
0x24: {  	[tilespmem:s18], [sflag:$0x12] =	stream.linear.gather @!p0 [hbm4b:s29+s18], $0x200, $0x38;
	[tilespmem:$0x12140] =	vst v63  }
0x25: {  	_ =	swait.ge @!p0 [sflag:s6], $0x200  }
0x26: {  	s3 =	simm.s32 @!p0 $0x40;
	[sflag:s6] =	ssyncset.done @!p0 $0x0  }
0x27: {  	s5 =	simm.s32 @!p0 $0x200;
	s9 =	simm.s32 @!p0 $0x11;
	[sflag:s6] =	ssyncadd.s32 @!p0 $0xFFFFFE00  }
0x28: {  	[tilespmem:s5], [sflag:$0x1] =	stream.indirect.gather @!p0 [hbm4b:s8+s3], $0x80, s18, s3, $0xb8;
	[tilespmem:$0x12140] =	vst v63  }
0x29: {  	_ =	swait.ge @!p0 [sflag:s9], $0x3E80  }
0x2a: {  	[sflag:s9] =	ssyncset.done @!p0 $0x0  }
0x2b: {  	[sflag:s9] =	ssyncadd.s32 @!p0 $0xFFFFC180  }
0x2c: {  	[bflag:$0x0] =	sbarrier.arrive $0xFFFF  }
0x2d: {  	s3 =	rddreg [dreg:$0xd]  }
0x2e: {  	[tilespmem:s14], [sflag:$0x2] =	stream.indirect.gather [spmem:s2], $0x80, s23, s23, $0xb8;
	[tilespmem:$0x12140] =	vst v63  }
0x2f: {  	s18 =	simm.s32 $0x4200;
	s5 =	rddreg [dreg:$0xe]  }
0x30: {  	[tilespmem:s18], [sflag:$0x3] =	stream.indirect.gather [spmem:s2], $0x80, s3, s23, $0xb8;
	[tilespmem:$0x12140] =	vst v63  }
0x31: {  	s20 =	simm.s32 $0x6200;
	s11 =	rddreg [dreg:$0xf]  }
0x32: {  	[tilespmem:s20], [sflag:$0x4] =	stream.indirect.gather [spmem:s2], $0x80, s5, s23, $0xb8;
	[tilespmem:$0x12140] =	vst v63  }
0x33: {  	s31 =	simm.s32 $0x8200;
	s5 =	rddreg [dreg:$0x10]  }
0x34: {  	[tilespmem:s31], [sflag:$0x5] =	stream.indirect.gather [spmem:s2], $0x80, s11, s23, $0xb8;
	[tilespmem:$0x12140] =	vst v63  }
0x35: {  	s31 =	rddreg [dreg:$0x11]  }
0x36: {  	s11 =	simm.s32 $0xA200;
	[dreg:$0x15] =	wrdreg s31  }
0x37: {  	[tilespmem:s11], [sflag:$0x6] =	stream.indirect.gather [spmem:s2], $0x80, s5, s23, $0xb8;
	[tilespmem:$0x12140] =	vst v63  }
0x38: {  	s3 =	simm.s32 $0xC200;
	s31 =	rddreg [dreg:$0x15]  }
0x39: {  	[tilespmem:s3], [sflag:$0x7] =	stream.indirect.gather [spmem:s2], $0x80, s31, s23, $0xb8;
	[tilespmem:$0x12140] =	vst v63  }
0x3a: {  	s11 =	rddreg [dreg:$0x12];
	s31 =	simm.s32 $0xE200  }
0x3b: {  	[tilespmem:s31], [sflag:$0x8] =	stream.indirect.gather [spmem:s2], $0x80, s11, s23, $0xb8;
	[tilespmem:$0x12140] =	vst v63  }
0x3c: {  	_ =	swait.ge [sflag:s30], $0x2000  }
0x3d: {  	[sflag:s30] =	ssyncset.done $0x0  }
0x3e: {  	s31 =	rddreg [dreg:$0x13];
	[sflag:s30] =	ssyncadd.s32 $0xFFFFE000  }
0x3f: {  	[hbm4b:s17+s1] =	stream.linear.scatter [tilespmem:s31], [sflag:$0x9], $0x2000, $0x38;
	[tilespmem:$0x12140] =	vst v63  }
0x40: {  	_ =	swait.ge [sflag:s28], $0x2000  }
0x41: {  	[sflag:s28] =	ssyncset.done $0x0  }
0x42: {  	s31 =	rddreg [dreg:$0x5];
	[sflag:s28] =	ssyncadd.s32 $0xFFFFE000  }
0x43: {  	[hbm4b:s31+s1] =	stream.linear.scatter [tilespmem:s14], [sflag:$0xA], $0x2000, $0x38;
	[tilespmem:$0x12140] =	vst v63  }
0x44: {  	_ =	swait.ge [sflag:s26], $0x2000  }
0x45: {  	[sflag:s26] =	ssyncset.done $0x0  }
0x46: {  	s31 =	rddreg [dreg:$0x6];
	[sflag:s26] =	ssyncadd.s32 $0xFFFFE000  }
0x47: {  	[hbm4b:s31+s1] =	stream.linear.scatter [tilespmem:s18], [sflag:$0xB], $0x2000, $0x38;
	[tilespmem:$0x12140] =	vst v63  }
0x48: {  	_ =	swait.ge [sflag:s25], $0x2000  }
0x49: {  	[sflag:s25] =	ssyncset.done $0x0  }
0x4a: {  	s14 =	rddreg [dreg:$0x7];
	[sflag:s25] =	ssyncadd.s32 $0xFFFFE000  }
0x4b: {  	[hbm4b:s14+s1] =	stream.linear.scatter [tilespmem:s20], [sflag:$0xC], $0x2000, $0x38;
	[tilespmem:$0x12140] =	vst v63  }
0x4c: {  	_ =	swait.ge [sflag:s24], $0x2000  }
0x4d: {  	[sflag:s24] =	ssyncset.done $0x0  }
0x4e: {  	s20 =	simm.s32 $0x8200;
	s18 =	rddreg [dreg:$0x8];
	[sflag:s24] =	ssyncadd.s32 $0xFFFFE000  }
0x4f: {  	[hbm4b:s18+s1] =	stream.linear.scatter [tilespmem:s20], [sflag:$0xD], $0x2000, $0x38;
	[tilespmem:$0x12140] =	vst v63  }
0x50: {  	_ =	swait.ge [sflag:s22], $0x2000  }
0x51: {  	[sflag:s22] =	ssyncset.done $0x0  }
0x52: {  	s5 =	simm.s32 $0xA200;
	s31 =	rddreg [dreg:$0x9];
	[sflag:s22] =	ssyncadd.s32 $0xFFFFE000  }
0x53: {  	[hbm4b:s31+s1] =	stream.linear.scatter [tilespmem:s5], [sflag:$0xE], $0x2000, $0x38;
	[tilespmem:$0x12140] =	vst v63  }
0x54: {  	_ =	swait.ge [sflag:s21], $0x2000  }
0x55: {  	[sflag:s21] =	ssyncset.done $0x0  }
0x56: {  	s18 =	simm.s32 $0xC200;
	s14 =	rddreg [dreg:$0xa];
	[sflag:s21] =	ssyncadd.s32 $0xFFFFE000  }
0x57: {  	[hbm4b:s14+s1] =	stream.linear.scatter [tilespmem:s18], [sflag:$0xF], $0x2000, $0x38;
	[tilespmem:$0x12140] =	vst v63  }
0x58: {  	_ =	swait.ge [sflag:s19], $0x2000  }
0x59: {  	[sflag:s19] =	ssyncset.done $0x0  }
0x5a: {  	s3 =	simm.s32 $0xE200;
	s20 =	rddreg [dreg:$0xb];
	[sflag:s19] =	ssyncadd.s32 $0xFFFFE000  }
0x5b: {  	[hbm4b:s20+s1] =	stream.linear.scatter [tilespmem:s3], [sflag:$0x10], $0x2000, $0x38;
	[tilespmem:$0x12140] =	vst v63  }
0x5c: {  	_ =	swait.ge [sflag:s16], $0x2000  }
0x5d: {  	[sflag:s16] =	ssyncset.done $0x0  }
0x5e: {  	[sflag:s16] =	ssyncadd.s32 $0xFFFFE000  }
0x5f: {  	_ =	swait.ge [sflag:s15], $0x2000  }
0x60: {  	[sflag:s15] =	ssyncset.done $0x0  }
0x61: {  	[sflag:s15] =	ssyncadd.s32 $0xFFFFE000  }
0x62: {  	_ =	swait.ge [sflag:s12], $0x2000  }
0x63: {  	[sflag:s12] =	ssyncset.done $0x0  }
0x64: {  	[sflag:s12] =	ssyncadd.s32 $0xFFFFE000  }
0x65: {  	_ =	swait.ge [sflag:s13], $0x2000  }
0x66: {  	[sflag:s13] =	ssyncset.done $0x0  }
0x67: {  	[sflag:s13] =	ssyncadd.s32 $0xFFFFE000  }
0x68: {  	_ =	swait.ge [sflag:s10], $0x2000  }
0x69: {  	[sflag:s10] =	ssyncset.done $0x0  }
0x6a: {  	[sflag:s10] =	ssyncadd.s32 $0xFFFFE000  }
0x6b: {  	_ =	swait.ge [sflag:s7], $0x2000  }
0x6c: {  	[sflag:s7] =	ssyncset.done $0x0  }
0x6d: {  	s5 =	simm.s32 $0xF;
	[sflag:s7] =	ssyncadd.s32 $0xFFFFE000  }
0x6e: {  	_ =	swait.ge [sflag:s5], $0x2000  }
0x6f: {  	s31 =	rddreg [dreg:$0x14]  }
0x70: {  	s11 =	sadd.s32 $0xFFFFFFFF, s31  }
0x71: {  	p2 =	sne.s32 s11, $0x0  }
.Ltmp1:
0x72: {  	_ = 	snop;
	(pc) =	sbr.rel @!p2 .LBB2_6-.Ltmp1, $4  }
0x73: {  	[sflag:s5] =	ssyncset.done $0x0  }
0x74: {  	[sflag:s5] =	ssyncadd.s32 $0xFFFFE000  }
0x75: {  	_ =	swait.ge [sflag:s4], $0x2000  }
0x76: {  	p1 =	por $0x1, $0x1;
	s18 =	simm.s32 $0x2200;
	[sflag:s4] =	ssyncset.done $0x0  }
0x77: {  	s20 =	simm.s32 $0x4200;
	s31 =	simm.s32 $0x6200  }
.LBB2_3:
0x78: {  	[sflag:s4] =	ssyncadd.s32 $0xFFFFE000;
	s3 =	simm.s32 @p0 $0x0  }
0x79: {  	[tilespmem:s3], [sflag:$0x12] =	stream.linear.gather @p0 [hbm4b:s29+s3], $0x200, $0x38;
	[tilespmem:$0x12140] =	vst v63  }
0x7a: {  	_ =	swait.ge @p0 [sflag:s0], $0x200  }
0x7b: {  	[sflag:s0] =	ssyncset.done @p0 $0x0  }
0x7c: {  	s4 =	simm.s32 @p0 $0x40;
	s5 =	simm.s32 @p0 $0x200;
	[sflag:s0] =	ssyncadd.s32 @p0 $0xFFFFFE00  }
0x7d: {  	[tilespmem:s5], [sflag:$0x1] =	stream.indirect.gather @p0 [hbm4b:s8+s4], $0x80, s3, s4, $0xb8;
	[tilespmem:$0x12140] =	vst v63  }
0x7e: {  	s14 =	rddreg [dreg:$0xc];
	s3 =	simm.s32 @!p0 $0x1C11  }
0x7f: {  	[spmem:s14], [sflag:s3] =	dma.local @!p0 [hbm:s8], $0x3E80  }
0x80: {  	s3 =	simm.s32 @!p0 $0x0  }
0x81: {  	[tilespmem:s3], [sflag:$0x12] =	stream.linear.gather @!p0 [hbm4b:s29+s3], $0x200, $0x38;
	[tilespmem:$0x12140] =	vst v63  }
0x82: {  	_ =	swait.ge @!p0 [sflag:s6], $0x200  }
0x83: {  	[sflag:s6] =	ssyncset.done @!p0 $0x0  }
0x84: {  	s4 =	simm.s32 @!p0 $0x40;
	s5 =	simm.s32 @!p0 $0x200;
	[sflag:s6] =	ssyncadd.s32 @!p0 $0xFFFFFE00  }
0x85: {  	[tilespmem:s5], [sflag:$0x1] =	stream.indirect.gather @!p0 [hbm4b:s8+s4], $0x80, s3, s4, $0xb8;
	[tilespmem:$0x12140] =	vst v63  }
0x86: {  	_ =	swait.ge @!p0 [sflag:s9], $0x3E80  }
0x87: {  	[sflag:s9] =	ssyncset.done @!p0 $0x0  }
0x88: {  	[sflag:s9] =	ssyncadd.s32 @!p0 $0xFFFFC180  }
0x89: {  	[bflag:$0x0] =	sbarrier.arrive $0xFFFF  }
0x8a: {  	[tilespmem:s18], [sflag:$0x2] =	stream.indirect.gather [spmem:s2], $0x80, s23, s23, $0xb8;
	[tilespmem:$0x12140] =	vst v63  }
0x8b: {  	s7 =	rddreg [dreg:$0xd]  }
0x8c: {  	[tilespmem:s20], [sflag:$0x3] =	stream.indirect.gather [spmem:s2], $0x80, s7, s23, $0xb8;
	[tilespmem:$0x12140] =	vst v63  }
0x8d: {  	s3 =	rddreg [dreg:$0xe]  }
0x8e: {  	[tilespmem:s31], [sflag:$0x4] =	stream.indirect.gather [spmem:s2], $0x80, s3, s23, $0xb8;
	[tilespmem:$0x12140] =	vst v63  }
0x8f: {  	s4 =	rddreg [dreg:$0xf];
	s7 =	simm.s32 $0x8200  }
0x90: {  	[tilespmem:s7], [sflag:$0x5] =	stream.indirect.gather [spmem:s2], $0x80, s4, s23, $0xb8;
	[tilespmem:$0x12140] =	vst v63  }
0x91: {  	s5 =	rddreg [dreg:$0x10];
	s3 =	simm.s32 $0xA200  }
0x92: {  	[tilespmem:s3], [sflag:$0x6] =	stream.indirect.gather [spmem:s2], $0x80, s5, s23, $0xb8;
	[tilespmem:$0x12140] =	vst v63  }
0x93: {  	s4 =	rddreg [dreg:$0x11];
	s5 =	simm.s32 $0xC200  }
0x94: {  	[tilespmem:s5], [sflag:$0x7] =	stream.indirect.gather [spmem:s2], $0x80, s4, s23, $0xb8;
	[tilespmem:$0x12140] =	vst v63  }
0x95: {  	s18 =	smov.u32 s17;
	s17 =	rddreg [dreg:$0x12];
	s4 =	simm.s32 $0xE200  }
0x96: {  	[tilespmem:s4], [sflag:$0x8] =	stream.indirect.gather [spmem:s2], $0x80, s17, s23, $0xb8;
	[tilespmem:$0x12140] =	vst v63  }
0x97: {  	_ =	swait.ge [sflag:s30], $0x2000  }
0x98: {  	[sflag:s30] =	ssyncset.done $0x0  }
0x99: {  	s17 =	smov.u32 s18;
	s14 =	rddreg [dreg:$0x13];
	[sflag:s30] =	ssyncadd.s32 $0xFFFFE000  }
0x9a: {  	[hbm4b:s17+s1] =	stream.linear.scatter [tilespmem:s14], [sflag:$0x9], $0x2000, $0x38;
	[tilespmem:$0x12140] =	vst v63  }
0x9b: {  	_ =	swait.ge [sflag:s28], $0x2000  }
0x9c: {  	[sflag:s28] =	ssyncset.done $0x0  }
0x9d: {  	s18 =	simm.s32 $0x2200;
	s14 =	rddreg [dreg:$0x5];
	[sflag:s28] =	ssyncadd.s32 $0xFFFFE000  }
0x9e: {  	[hbm4b:s14+s1] =	stream.linear.scatter [tilespmem:s18], [sflag:$0xA], $0x2000, $0x38;
	[tilespmem:$0x12140] =	vst v63  }
0x9f: {  	_ =	swait.ge [sflag:s26], $0x2000  }
0xa0: {  	[sflag:s26] =	ssyncset.done $0x0  }
0xa1: {  	s14 =	rddreg [dreg:$0x6];
	[sflag:s26] =	ssyncadd.s32 $0xFFFFE000  }
0xa2: {  	[hbm4b:s14+s1] =	stream.linear.scatter [tilespmem:s20], [sflag:$0xB], $0x2000, $0x38;
	[tilespmem:$0x12140] =	vst v63  }
0xa3: {  	_ =	swait.ge [sflag:s25], $0x2000  }
0xa4: {  	[sflag:s25] =	ssyncset.done $0x0  }
0xa5: {  	s14 =	rddreg [dreg:$0x7];
	[sflag:s25] =	ssyncadd.s32 $0xFFFFE000  }
0xa6: {  	[hbm4b:s14+s1] =	stream.linear.scatter [tilespmem:s31], [sflag:$0xC], $0x2000, $0x38;
	[tilespmem:$0x12140] =	vst v63  }
0xa7: {  	_ =	swait.ge [sflag:s24], $0x2000  }
0xa8: {  	[sflag:s24] =	ssyncset.done $0x0  }
0xa9: {  	s14 =	rddreg [dreg:$0x8];
	[sflag:s24] =	ssyncadd.s32 $0xFFFFE000  }
0xaa: {  	[hbm4b:s14+s1] =	stream.linear.scatter [tilespmem:s7], [sflag:$0xD], $0x2000, $0x38;
	[tilespmem:$0x12140] =	vst v63  }
0xab: {  	_ =	swait.ge [sflag:s22], $0x2000  }
0xac: {  	[sflag:s22] =	ssyncset.done $0x0  }
0xad: {  	s14 =	rddreg [dreg:$0x9];
	[sflag:s22] =	ssyncadd.s32 $0xFFFFE000  }
0xae: {  	[hbm4b:s14+s1] =	stream.linear.scatter [tilespmem:s3], [sflag:$0xE], $0x2000, $0x38;
	[tilespmem:$0x12140] =	vst v63  }
0xaf: {  	_ =	swait.ge [sflag:s21], $0x2000  }
0xb0: {  	[sflag:s21] =	ssyncset.done $0x0  }
0xb1: {  	s3 =	rddreg [dreg:$0xa];
	[sflag:s21] =	ssyncadd.s32 $0xFFFFE000  }
0xb2: {  	[hbm4b:s3+s1] =	stream.linear.scatter [tilespmem:s5], [sflag:$0xF], $0x2000, $0x38;
	[tilespmem:$0x12140] =	vst v63  }
0xb3: {  	_ =	swait.ge [sflag:s19], $0x2000  }
0xb4: {  	[sflag:s19] =	ssyncset.done $0x0  }
0xb5: {  	s3 =	rddreg [dreg:$0xb];
	[sflag:s19] =	ssyncadd.s32 $0xFFFFE000  }
0xb6: {  	[hbm4b:s3+s1] =	stream.linear.scatter [tilespmem:s4], [sflag:$0x10], $0x2000, $0x38;
	[tilespmem:$0x12140] =	vst v63  }
0xb7: {  	_ =	swait.ge [sflag:s16], $0x2000  }
0xb8: {  	[sflag:s16] =	ssyncset.done $0x0  }
0xb9: {  	[sflag:s16] =	ssyncadd.s32 $0xFFFFE000  }
0xba: {  	_ =	swait.ge [sflag:s15], $0x2000  }
0xbb: {  	[sflag:s15] =	ssyncset.done $0x0  }
0xbc: {  	[sflag:s15] =	ssyncadd.s32 $0xFFFFE000  }
0xbd: {  	_ =	swait.ge [sflag:s12], $0x2000  }
0xbe: {  	[sflag:s12] =	ssyncset.done $0x0  }
0xbf: {  	[sflag:s12] =	ssyncadd.s32 $0xFFFFE000  }
0xc0: {  	_ =	swait.ge [sflag:s13], $0x2000  }
0xc1: {  	[sflag:s13] =	ssyncset.done $0x0  }
0xc2: {  	[sflag:s13] =	ssyncadd.s32 $0xFFFFE000  }
0xc3: {  	_ =	swait.ge [sflag:s10], $0x2000  }
0xc4: {  	[sflag:s10] =	ssyncset.done $0x0  }
0xc5: {  	s7 =	simm.s32 $0xE;
	[sflag:s10] =	ssyncadd.s32 $0xFFFFE000  }
0xc6: {  	_ =	swait.ge [sflag:s7], $0x2000  }
0xc7: {  	s11 =	sadd.s32 $0xFFFFFFFF, s11;
	[sflag:s7] =	ssyncset.done $0x0  }
0xc8: {  	p2 =	sne.s32 s11, $0x0;
	s5 =	simm.s32 $0xF;
	[sflag:s7] =	ssyncadd.s32 $0xFFFFE000  }
.Ltmp2:
0xc9: {  	_ =	swait.ge [sflag:s5], $0x2000;
	(pc) =	sbr.rel @p2 .LBB2_3-.Ltmp2, $4  }
0xca: {  	[sflag:s5] =	ssyncset.done $0x0  }
0xcb: {  	s4 =	simm.s32 $0x10;
	[sflag:s5] =	ssyncadd.s32 $0xFFFFE000  }
0xcc: {  	_ =	swait.ge [sflag:s4], $0x2000  }
0xcd: {  	[sflag:s4] =	ssyncset.done $0x0  }
0xce: {  	s11 =	simm.s32 $0xE200;
	s14 =	simm.s32 $0x2200  }
0xcf: {  	s18 =	simm.s32 $0xC200;
	s20 =	simm.s32 $0xA200;
	s31 =	simm.s32 $0x8200  }
.LBB2_5:
0xd0: {  	[sflag:s4] =	ssyncadd.s32 @p1 $0xFFFFE000;
	s0 =	simm.s32 @p0 $0x0;
	s3 =	simm.s32 @p0 $0x12  }
0xd1: {  	[tilespmem:s0], [sflag:$0x12] =	stream.linear.gather @p0 [hbm4b:s29+s0], $0x200, $0x38;
	[tilespmem:$0x12140] =	vst v63  }
0xd2: {  	_ =	swait.ge @p0 [sflag:s3], $0x200  }
0xd3: {  	[sflag:s3] =	ssyncset.done @p0 $0x0  }
0xd4: {  	s6 =	simm.s32 @p0 $0x40;
	s9 =	simm.s32 @p0 $0x200;
	[sflag:s3] =	ssyncadd.s32 @p0 $0xFFFFFE00  }
0xd5: {  	[tilespmem:s9], [sflag:$0x1] =	stream.indirect.gather @p0 [hbm4b:s8+s6], $0x80, s0, s6, $0xb8;
	[tilespmem:$0x12140] =	vst v63  }
0xd6: {  	s3 =	rddreg [dreg:$0xc];
	s0 =	simm.s32 @!p0 $0x1C11  }
0xd7: {  	[spmem:s3], [sflag:s0] =	dma.local @!p0 [hbm:s8], $0x3E80  }
0xd8: {  	s0 =	simm.s32 @!p0 $0x0;
	s3 =	simm.s32 @!p0 $0x12  }
0xd9: {  	[tilespmem:s0], [sflag:$0x12] =	stream.linear.gather @!p0 [hbm4b:s29+s0], $0x200, $0x38;
	[tilespmem:$0x12140] =	vst v63  }
0xda: {  	_ =	swait.ge @!p0 [sflag:s3], $0x200  }
0xdb: {  	[sflag:s3] =	ssyncset.done @!p0 $0x0  }
0xdc: {  	s6 =	simm.s32 @!p0 $0x200;
	[sflag:s3] =	ssyncadd.s32 @!p0 $0xFFFFFE00;
	s3 =	simm.s32 @!p0 $0x40  }
0xdd: {  	[tilespmem:s6], [sflag:$0x1] =	stream.indirect.gather @!p0 [hbm4b:s8+s3], $0x80, s0, s3, $0xb8;
	[tilespmem:$0x12140] =	vst v63  }
0xde: {  	s0 =	simm.s32 @!p0 $0x11  }
0xdf: {  	_ =	swait.ge @!p0 [sflag:s0], $0x3E80  }
0xe0: {  	[sflag:s0] =	ssyncset.done @!p0 $0x0  }
0xe1: {  	[sflag:s0] =	ssyncadd.s32 @!p0 $0xFFFFC180  }
0xe2: {  	[bflag:$0x0] =	sbarrier.arrive $0xFFFF  }
0xe3: {  	[tilespmem:s14], [sflag:$0x2] =	stream.indirect.gather [spmem:s2], $0x80, s23, s23, $0xb8;
	[tilespmem:$0x12140] =	vst v63  }
0xe4: {  	s8 =	simm.s32 $0x4200;
	s9 =	rddreg [dreg:$0xd]  }
0xe5: {  	[tilespmem:s8], [sflag:$0x3] =	stream.indirect.gather [spmem:s2], $0x80, s9, s23, $0xb8;
	[tilespmem:$0x12140] =	vst v63  }
0xe6: {  	s6 =	simm.s32 $0x6200;
	s29 =	rddreg [dreg:$0xe]  }
0xe7: {  	[tilespmem:s6], [sflag:$0x4] =	stream.indirect.gather [spmem:s2], $0x80, s29, s23, $0xb8;
	[tilespmem:$0x12140] =	vst v63  }
0xe8: {  	s9 =	rddreg [dreg:$0xf]  }
0xe9: {  	[tilespmem:s31], [sflag:$0x5] =	stream.indirect.gather [spmem:s2], $0x80, s9, s23, $0xb8;
	[tilespmem:$0x12140] =	vst v63  }
0xea: {  	s29 =	rddreg [dreg:$0x10]  }
0xeb: {  	[tilespmem:s20], [sflag:$0x6] =	stream.indirect.gather [spmem:s2], $0x80, s29, s23, $0xb8;
	[tilespmem:$0x12140] =	vst v63  }
0xec: {  	s9 =	rddreg [dreg:$0x11]  }
0xed: {  	[tilespmem:s18], [sflag:$0x7] =	stream.indirect.gather [spmem:s2], $0x80, s9, s23, $0xb8;
	[tilespmem:$0x12140] =	vst v63  }
0xee: {  	s29 =	rddreg [dreg:$0x12]  }
0xef: {  	[tilespmem:s11], [sflag:$0x8] =	stream.indirect.gather [spmem:s2], $0x80, s29, s23, $0xb8;
	[tilespmem:$0x12140] =	vst v63  }
0xf0: {  	_ =	swait.ge [sflag:s30], $0x2000  }
0xf1: {  	[sflag:s30] =	ssyncset.done $0x0  }
0xf2: {  	s9 =	rddreg [dreg:$0x13];
	[sflag:s30] =	ssyncadd.s32 $0xFFFFE000  }
0xf3: {  	[hbm4b:s17+s1] =	stream.linear.scatter [tilespmem:s9], [sflag:$0x9], $0x2000, $0x38;
	[tilespmem:$0x12140] =	vst v63  }
0xf4: {  	_ =	swait.ge [sflag:s28], $0x2000  }
0xf5: {  	[sflag:s28] =	ssyncset.done $0x0  }
0xf6: {  	s17 =	rddreg [dreg:$0x5];
	[sflag:s28] =	ssyncadd.s32 $0xFFFFE000  }
0xf7: {  	[hbm4b:s17+s1] =	stream.linear.scatter [tilespmem:s14], [sflag:$0xA], $0x2000, $0x38;
	[tilespmem:$0x12140] =	vst v63  }
0xf8: {  	_ =	swait.ge [sflag:s26], $0x2000  }
0xf9: {  	[sflag:s26] =	ssyncset.done $0x0  }
0xfa: {  	s23 =	rddreg [dreg:$0x6];
	[sflag:s26] =	ssyncadd.s32 $0xFFFFE000  }
0xfb: {  	[hbm4b:s23+s1] =	stream.linear.scatter [tilespmem:s8], [sflag:$0xB], $0x2000, $0x38;
	[tilespmem:$0x12140] =	vst v63  }
0xfc: {  	_ =	swait.ge [sflag:s25], $0x2000  }
0xfd: {  	[sflag:s25] =	ssyncset.done $0x0  }
0xfe: {  	s26 =	rddreg [dreg:$0x7];
	[sflag:s25] =	ssyncadd.s32 $0xFFFFE000  }
0xff: {  	[hbm4b:s26+s1] =	stream.linear.scatter [tilespmem:s6], [sflag:$0xC], $0x2000, $0x38;
	[tilespmem:$0x12140] =	vst v63  }
0x100: {  	_ =	swait.ge [sflag:s24], $0x2000  }
0x101: {  	[sflag:s24] =	ssyncset.done $0x0  }
0x102: {  	s28 =	rddreg [dreg:$0x8];
	[sflag:s24] =	ssyncadd.s32 $0xFFFFE000  }
0x103: {  	[hbm4b:s28+s1] =	stream.linear.scatter [tilespmem:s31], [sflag:$0xD], $0x2000, $0x38;
	[tilespmem:$0x12140] =	vst v63  }
0x104: {  	_ =	swait.ge [sflag:s22], $0x2000  }
0x105: {  	[sflag:s22] =	ssyncset.done $0x0  }
0x106: {  	s29 =	rddreg [dreg:$0x9];
	[sflag:s22] =	ssyncadd.s32 $0xFFFFE000  }
0x107: {  	[hbm4b:s29+s1] =	stream.linear.scatter [tilespmem:s20], [sflag:$0xE], $0x2000, $0x38;
	[tilespmem:$0x12140] =	vst v63  }
0x108: {  	_ =	swait.ge [sflag:s21], $0x2000  }
0x109: {  	[sflag:s21] =	ssyncset.done $0x0  }
0x10a: {  	s30 =	rddreg [dreg:$0xa];
	[sflag:s21] =	ssyncadd.s32 $0xFFFFE000  }
0x10b: {  	[hbm4b:s30+s1] =	stream.linear.scatter [tilespmem:s18], [sflag:$0xF], $0x2000, $0x38;
	[tilespmem:$0x12140] =	vst v63  }
0x10c: {  	_ =	swait.ge [sflag:s19], $0x2000  }
0x10d: {  	[sflag:s19] =	ssyncset.done $0x0  }
0x10e: {  	s31 =	rddreg [dreg:$0xb];
	[sflag:s19] =	ssyncadd.s32 $0xFFFFE000  }
0x10f: {  	[hbm4b:s31+s1] =	stream.linear.scatter [tilespmem:s11], [sflag:$0x10], $0x2000, $0x38;
	[tilespmem:$0x12140] =	vst v63  }
0x110: {  	_ =	swait.ge [sflag:s16], $0x2000  }
0x111: {  	[sflag:s16] =	ssyncset.done $0x0  }
0x112: {  	[sflag:s16] =	ssyncadd.s32 $0xFFFFE000  }
0x113: {  	_ =	swait.ge [sflag:s15], $0x2000  }
0x114: {  	[sflag:s15] =	ssyncset.done $0x0  }
0x115: {  	[sflag:s15] =	ssyncadd.s32 $0xFFFFE000  }
0x116: {  	_ =	swait.ge [sflag:s12], $0x2000  }
0x117: {  	[sflag:s12] =	ssyncset.done $0x0  }
0x118: {  	[sflag:s12] =	ssyncadd.s32 $0xFFFFE000  }
0x119: {  	_ =	swait.ge [sflag:s13], $0x2000  }
0x11a: {  	[sflag:s13] =	ssyncset.done $0x0  }
0x11b: {  	[sflag:s13] =	ssyncadd.s32 $0xFFFFE000  }
0x11c: {  	_ =	swait.ge [sflag:s10], $0x2000  }
0x11d: {  	[sflag:s10] =	ssyncset.done $0x0  }
0x11e: {  	[sflag:s10] =	ssyncadd.s32 $0xFFFFE000  }
0x11f: {  	_ =	swait.ge [sflag:s7], $0x2000  }
0x120: {  	[sflag:s7] =	ssyncset.done $0x0  }
0x121: {  	[sflag:s7] =	ssyncadd.s32 $0xFFFFE000  }
0x122: {  	_ =	swait.ge [sflag:s5], $0x2000  }
0x123: {  	[sflag:s5] =	ssyncset.done $0x0  }
0x124: {  	[sflag:s5] =	ssyncadd.s32 $0xFFFFE000  }
0x125: {  	_ =	swait.ge [sflag:s4], $0x2000  }
0x126: {  	[sflag:s4] =	ssyncset.done $0x0  }
0x127: {  	[sflag:s4] =	ssyncadd.s32 $0xFFFFE000  }
0x128: {  	_ =	sfence.sel $0x180000  }
0x129: {  	[bflag:$0x0] =	sbarrier.arrive $0xFFFF  }
0x12a: {  	_ =	strace $0x90000047  }
0x12b: {  	[bflag:$0x2] =	sbarrier.arrive $0xFFFF  }
0x12c: {  	s0 =	rddreg [dreg:$0x4]  }
0x12d: {  	s0 =	sadd.s32 @!p0 $0x100000, s0  }
0x12e: {  	[sflag:s0] =	ssyncadd.tile.s32 @!p0 $0x1;
	_ =	shalt  }
.LBB2_6:
.Ltmp3:
0x12f: {  	(pc) =	sbr.rel .LBB2_5-.Ltmp3, $3  }
0x130: {  	_ =	sdelay $0x1  }
0x131: {  	s11 =	simm.s32 $0xE200;
	s14 =	simm.s32 $0x2200  }
0x132: {  	s18 =	simm.s32 $0xC200;
	s20 =	simm.s32 $0xA200;
	s31 =	simm.s32 $0x8200  }
.Lfunc_end2:
_tile_overlayer_lowered:
.L_overlay_start_2:
0x133: {  	(tag) =	ssettag $0x2  }
0x134: {  	s0 =	rddreg [dreg:$0x0];
	s2 =	stileid.u32  }
0x135: {  	s1 =	rddreg [dreg:$0x1];
	p0 =	sne.s32 s2, $0x0  }
0x136: {  	s3 =	rddreg [dreg:$0x2];
	[bflag:$0x3] =	sbarrier.arrive $0xFFFF;
	s2 =	simm.s32 @!p0 $0x1C12  }
0x137: {  	[timem:s3], [sflag:s2] =	dma.local @!p0 [hbm:s0], s1  }
0x138: {  	s0 =	simm.s32 @!p0 $0x12  }
0x139: {  	_ =	swait.ge @!p0 [sflag:s0], s1  }
0x13a: {  	s1 =	ssub.s32 @!p0 $0x0, s1;
	[sflag:s0] =	ssyncset.done @!p0 $0x0  }
0x13b: {  	[sflag:s0] =	ssyncadd.s32 @!p0 s1  }
0x13c: {  	[bflag:$0x3] =	sbarrier.arrive $0xFFFF  }
0x13d: {  	_ =	shalt  }

</sc_bundles>
